<compile_context>
chip_gen: v7x
topology: tpu7x:2x2x1
jax: 0.10.2.dev20260603
libtpu: 0.0.44.dev20260713+nightly
codegen_flags: <defaults>
</compile_context>

<pallas_src>
import functools

import jax
import jax.numpy as jnp
from jax import lax
from jax.experimental import pallas as pl
from jax.experimental.pallas import tpu as pltpu
from jax.experimental.pallas import tpu_sc as plsc

_NUM_CORES = 2
_NUM_SUBCORES = 16
_LANES = 16
_PE_RING = 5
_X_RING = 8


def _build_sc_call(n_rows: int, d_model: int, vocab: int):
    num_workers = _NUM_CORES * _NUM_SUBCORES
    n_per_w = n_rows // num_workers
    chunk = 8
    n_chunks = n_per_w // chunk

    mesh = plsc.VectorSubcoreMesh(
        core_axis_name="c",
        subcore_axis_name="s",
        num_cores=_NUM_CORES,
        num_subcores=_NUM_SUBCORES,
    )

    @functools.partial(
        pl.kernel,
        out_type=jax.ShapeDtypeStruct((n_rows, d_model), jnp.float32),
        mesh=mesh,
        scratch_types=[
            pltpu.VMEM((n_per_w,), jnp.int32),
            pltpu.VMEM((_PE_RING, chunk, d_model), jnp.float32),
            pltpu.VMEM((_X_RING, chunk, d_model), jnp.float32),
            pltpu.SemaphoreType.DMA((_PE_RING,)),
            pltpu.SemaphoreType.DMA((_X_RING,)),
            pltpu.SemaphoreType.DMA((_X_RING,)),
        ],
    )
    def sc_add_pe(
        x_hbm, idx_hbm, pe_hbm, out_hbm, idx_v, pe_v, x_v, gsem, lsem, ssem
    ):
        cid = lax.axis_index("c")
        sid = lax.axis_index("s")
        wid = sid * _NUM_CORES + cid
        base = wid * n_per_w

        pltpu.sync_copy(idx_hbm.at[pl.ds(base, n_per_w)], idx_v)

        def gather(g):
            pb = lax.rem(g, _PE_RING)
            return pltpu.make_async_copy(
                pe_hbm.at[idx_v.at[pl.ds(g * chunk, chunk)]],
                pe_v.at[pb],
                gsem.at[pb],
            )

        def xload(g):
            xb = lax.rem(g, _X_RING)
            return pltpu.make_async_copy(
                x_hbm.at[pl.ds(base + g * chunk, chunk)],
                x_v.at[xb],
                lsem.at[xb],
            )

        def store(g):
            xb = lax.rem(g, _X_RING)
            return pltpu.make_async_copy(
                x_v.at[xb],
                out_hbm.at[pl.ds(base + g * chunk, chunk)],
                ssem.at[xb],
            )

        gather(0).start()
        xload(0).start()
        gather(1).start()
        xload(1).start()
        gather(2).start()
        xload(2).start()
        gather(3).start()
        xload(3).start()

        def chunk_body(g, carry):
            @pl.when(g >= 4)
            def _drain():
                store(g - 4).wait()

            @pl.when(g + 4 < n_chunks)
            def _prefetch():
                gather(g + 4).start()
                xload(g + 4).start()

            gather(g).wait()
            xload(g).wait()

            pb = lax.rem(g, _PE_RING)
            xb = lax.rem(g, _X_RING)

            @plsc.parallel_loop(0, chunk, step=1, unroll=4)
            def _rows(r):
                for j in range(d_model // _LANES):
                    sl = pl.ds(j * _LANES, _LANES)
                    plsc.addupdate(x_v.at[xb, r, sl], pe_v[pb, r, sl])

            store(g).start()
            return carry

        lax.fori_loop(0, n_chunks, chunk_body, 0, unroll=False)
        store(n_chunks - 4).wait()
        store(n_chunks - 3).wait()
        store(n_chunks - 2).wait()
        store(n_chunks - 1).wait()

    return sc_add_pe


def kernel(x, rand_idx, pe):
    b, s, d = x.shape
    n_rows = b * s
    vocab = pe.shape[1]

    x_flat = x.reshape(n_rows, d)
    idx_flat = rand_idx.reshape(n_rows).astype(jnp.int32)
    pe_flat = pe.reshape(vocab, d)

    out = _build_sc_call(n_rows, d, vocab)(x_flat, idx_flat, pe_flat)
    return out.reshape(1, b, s, d)

# --- scband reference (transcript-rebuilt; emitter-appended) ---
"""Pipeline reference for scband-randomized-positional-encoding-63170378989814 (READ-ONLY COPY).

The authoritative reference and input builder live on the scoring server;
editing this copy changes nothing except your own understanding.
"""

import math
import jax, jax.numpy as jnp
import numpy as np

D_MODEL = 1024
MAX_LEN = 16384
BATCH = 4
SEQ_LEN = 8192


def _make_pe(d_model, max_len):
    position = np.arange(max_len, dtype=np.float32)[:, None]
    div_term = np.exp(np.arange(0, d_model, 2, dtype=np.float32) * (-math.log(10000.0) / d_model))
    pe = np.zeros((1, max_len, d_model), dtype=np.float32)
    pe[0, :, 0::2] = np.sin(position * div_term)
    pe[0, :, 1::2] = np.cos(position * div_term)
    return jnp.asarray(pe)


def setup_inputs(seed: int = 0) -> dict:
    key = jax.random.key(seed)
    k1, k2 = jax.random.split(key)
    x = jax.random.normal(k1, (BATCH, SEQ_LEN, D_MODEL), dtype=jnp.float32)
    # training-path randomized position indices, sorted per row (deterministic stand-in
    # for torch.randperm(max_rand_idx)[:seq_len].sort()); max_rand_idx = min(1.5*S, max_len)
    max_rand_idx = min(int(SEQ_LEN * 1.5), MAX_LEN)
    rand_idx = jnp.sort(jax.random.randint(k2, (BATCH, SEQ_LEN), 0, max_rand_idx, dtype=jnp.int64 if jax.config.jax_enable_x64 else jnp.int32), axis=1)
    pe = _make_pe(D_MODEL, MAX_LEN)
    return {"x": x, "rand_idx": rand_idx, "pe": pe}


def reference(x, rand_idx, pe):
    # pes = self.pe[:, rand_idx, :]  -> shape [1, B, S, D]
    pes = pe[:, rand_idx, :]
    # dropout p=0.0 (identity)
    return x + pes

if __name__ == "__main__":
    import jax
    _d = setup_inputs()
    print(jax.jit(kernel)(*tuple(_d.values())))

</pallas_src>

<mosaic_0001>
#map = affine_map<(d0, d1) -> (0, 0)>
#map1 = affine_map<(d0, d1) -> (0)>
module attributes {stable_mosaic.version = 14 : i64} {
  func.func @sc_add_pe(%arg0: i32, %arg1: i32, %arg2: memref<32768x1024xf32, #tpu.memory_space<hbm>>, %arg3: memref<32768xi32, #tpu.memory_space<hbm>>, %arg4: memref<16384x1024xf32, #tpu.memory_space<hbm>>, %arg5: memref<32768x1024xf32, #tpu.memory_space<hbm>>, %arg6: memref<1024xi32, #tpu.memory_space<vmem>>, %arg7: memref<5x8x1024xf32, #tpu.memory_space<vmem>>, %arg8: memref<8x8x1024xf32, #tpu.memory_space<vmem>>, %arg9: memref<5x!tpu.dma_semaphore, #tpu.memory_space<semaphore_mem>>, %arg10: memref<8x!tpu.dma_semaphore, #tpu.memory_space<semaphore_mem>>, %arg11: memref<8x!tpu.dma_semaphore, #tpu.memory_space<semaphore_mem>>) attributes {dimension_semantics = [#tpu.dimension_semantics<core_parallel>, #tpu.dimension_semantics<subcore_parallel>], iteration_bounds = array<i64: 2, 16>, scalar_prefetch = 0 : i64, scratch_operands = 6 : i64, tpu.core_type = #tpu.core_type<sc_vector_subcore>, window_params = [{transform_indices = #map}, {transform_indices = #map1}, {transform_indices = #map}, {transform_indices = #map}]} {
    %mul3A = arith.constant 2 : i32
    %mul3A_0 = arith.muli %arg1, %mul3A : i32
    %add3A = arith.addi %mul3A_0, %arg0 : i32
    %mul3A_1 = arith.constant 1024 : i32
    %mul3A_2 = arith.muli %add3A, %mul3A_1 : i32
    "tpu.region"() ({
      %run_scoped3A = tpu.sem_alloc : memref<!tpu.dma_semaphore, #tpu.memory_space<semaphore_mem>>
      %dma_start3A_213 = tpu.memref_slice %arg3[%mul3A_2] : memref<32768xi32, #tpu.memory_space<hbm>> -> memref<1024xi32, #tpu.memory_space<hbm>>
      %dma_start3A_214 = tpu.memref_slice %arg3[%mul3A_2] : memref<32768xi32, #tpu.memory_space<hbm>> -> memref<1024xi32, #tpu.memory_space<hbm>>
      tpu.enqueue_dma source(%dma_start3A_214 : memref<1024xi32, #tpu.memory_space<hbm>>) target(%arg6 : memref<1024xi32, #tpu.memory_space<vmem>>) target_semaphore(%run_scoped3A : memref<!tpu.dma_semaphore, #tpu.memory_space<semaphore_mem>>)
      %dma_wait3A_215 = tpu.memref_slice %arg3[%mul3A_2] : memref<32768xi32, #tpu.memory_space<hbm>> -> memref<1024xi32, #tpu.memory_space<hbm>>
      %dma_wait3A_216 = tpu.memref_slice %arg3[%mul3A_2] : memref<32768xi32, #tpu.memory_space<hbm>> -> memref<1024xi32, #tpu.memory_space<hbm>>
      tpu.wait_dma2 semaphore(%run_scoped3A : memref<!tpu.dma_semaphore, #tpu.memory_space<semaphore_mem>>) src(%dma_wait3A_216 : memref<1024xi32, #tpu.memory_space<hbm>>) dst(%arg6 : memref<1024xi32, #tpu.memory_space<vmem>>)
      tpu.yield
    }) : () -> ()
    %rem3A = arith.constant 0 : i32
    %rem3A_3 = arith.constant 5 : i32
    %rem3A_4 = arith.remsi %rem3A, %rem3A_3 : i32
    %dma_start3A = arith.constant 0 : i32
    %dma_start3A_5 = arith.constant 0 : i32
    %dma_start3A_6 = tpu.memref_slice %arg7[%rem3A_4, %dma_start3A, %dma_start3A_5] : memref<5x8x1024xf32, #tpu.memory_space<vmem>> -> memref<1x8x1024xf32, #tpu.memory_space<vmem>>
    %dma_start3A_7 = tpu.memref_squeeze %dma_start3A_6 : memref<1x8x1024xf32, #tpu.memory_space<vmem>> -> memref<8x1024xf32, #tpu.memory_space<vmem>>
    %dma_start3A_8 = arith.constant 0 : i32
    %dma_start3A_9 = tpu.memref_slice %arg6[%dma_start3A_8] : memref<1024xi32, #tpu.memory_space<vmem>> -> memref<8xi32, #tpu.memory_space<vmem>>
    %dma_start3A_10 = arith.constant 0 : i32
    %dma_start3A_11 = arith.constant 0 : i32
    %dma_start3A_12 = tpu.memref_slice %arg4[%dma_start3A_10, %dma_start3A_11] : memref<16384x1024xf32, #tpu.memory_space<hbm>> -> memref<16384x1024xf32, #tpu.memory_space<hbm>>
    %dma_start3A_13 = tpu.memref_slice %arg9[%rem3A_4] : memref<5x!tpu.dma_semaphore, #tpu.memory_space<semaphore_mem>> -> memref<1x!tpu.dma_semaphore, #tpu.memory_space<semaphore_mem>>
    %dma_start3A_14 = tpu.memref_squeeze %dma_start3A_13 : memref<1x!tpu.dma_semaphore, #tpu.memory_space<semaphore_mem>> -> memref<!tpu.dma_semaphore, #tpu.memory_space<semaphore_mem>>
    tpu.enqueue_indirect_dma source(%dma_start3A_12 : memref<16384x1024xf32, #tpu.memory_space<hbm>>) target(%dma_start3A_7 : memref<8x1024xf32, #tpu.memory_space<vmem>>) offsets(%dma_start3A_9 : memref<8xi32, #tpu.memory_space<vmem>>) semaphore(%dma_start3A_14 : memref<!tpu.dma_semaphore, #tpu.memory_space<semaphore_mem>>)
    %rem3A_15 = arith.constant 0 : i32
    %rem3A_16 = arith.constant 8 : i32
    %rem3A_17 = arith.remsi %rem3A_15, %rem3A_16 : i32
    %add3A_18 = arith.constant 0 : i32
    %add3A_19 = arith.addi %mul3A_2, %add3A_18 : i32
    %dma_start3A_20 = arith.constant 0 : i32
    %dma_start3A_21 = arith.constant 0 : i32
    %dma_start3A_22 = tpu.memref_slice %arg8[%rem3A_17, %dma_start3A_20, %dma_start3A_21] : memref<8x8x1024xf32, #tpu.memory_space<vmem>> -> memref<1x8x1024xf32, #tpu.memory_space<vmem>>
    %dma_start3A_23 = tpu.memref_squeeze %dma_start3A_22 : memref<1x8x1024xf32, #tpu.memory_space<vmem>> -> memref<8x1024xf32, #tpu.memory_space<vmem>>
    %dma_start3A_24 = arith.constant 0 : i32
    %dma_start3A_25 = tpu.memref_slice %arg2[%add3A_19, %dma_start3A_24] : memref<32768x1024xf32, #tpu.memory_space<hbm>> -> memref<8x1024xf32, #tpu.memory_space<hbm>>
    %dma_start3A_26 = tpu.memref_slice %arg10[%rem3A_17] : memref<8x!tpu.dma_semaphore, #tpu.memory_space<semaphore_mem>> -> memref<1x!tpu.dma_semaphore, #tpu.memory_space<semaphore_mem>>
    %dma_start3A_27 = tpu.memref_squeeze %dma_start3A_26 : memref<1x!tpu.dma_semaphore, #tpu.memory_space<semaphore_mem>> -> memref<!tpu.dma_semaphore, #tpu.memory_space<semaphore_mem>>
    %dma_start3A_28 = arith.constant 0 : i32
    %dma_start3A_29 = arith.constant 0 : i32
    %dma_start3A_30 = tpu.memref_slice %arg8[%rem3A_17, %dma_start3A_28, %dma_start3A_29] : memref<8x8x1024xf32, #tpu.memory_space<vmem>> -> memref<1x8x1024xf32, #tpu.memory_space<vmem>>
    %dma_start3A_31 = tpu.memref_squeeze %dma_start3A_30 : memref<1x8x1024xf32, #tpu.memory_space<vmem>> -> memref<8x1024xf32, #tpu.memory_space<vmem>>
    %dma_start3A_32 = arith.constant 0 : i32
    %dma_start3A_33 = tpu.memref_slice %arg2[%add3A_19, %dma_start3A_32] : memref<32768x1024xf32, #tpu.memory_space<hbm>> -> memref<8x1024xf32, #tpu.memory_space<hbm>>
    tpu.enqueue_dma source(%dma_start3A_33 : memref<8x1024xf32, #tpu.memory_space<hbm>>) target(%dma_start3A_31 : memref<8x1024xf32, #tpu.memory_space<vmem>>) target_semaphore(%dma_start3A_27 : memref<!tpu.dma_semaphore, #tpu.memory_space<semaphore_mem>>)
    %rem3A_34 = arith.constant 1 : i32
    %rem3A_35 = arith.constant 5 : i32
    %rem3A_36 = arith.remsi %rem3A_34, %rem3A_35 : i32
    %dma_start3A_37 = arith.constant 0 : i32
    %dma_start3A_38 = arith.constant 0 : i32
    %dma_start3A_39 = tpu.memref_slice %arg7[%rem3A_36, %dma_start3A_37, %dma_start3A_38] : memref<5x8x1024xf32, #tpu.memory_space<vmem>> -> memref<1x8x1024xf32, #tpu.memory_space<vmem>>
    %dma_start3A_40 = tpu.memref_squeeze %dma_start3A_39 : memref<1x8x1024xf32, #tpu.memory_space<vmem>> -> memref<8x1024xf32, #tpu.memory_space<vmem>>
    %dma_start3A_41 = arith.constant 8 : i32
    %dma_start3A_42 = tpu.memref_slice %arg6[%dma_start3A_41] : memref<1024xi32, #tpu.memory_space<vmem>> -> memref<8xi32, #tpu.memory_space<vmem>>
    %dma_start3A_43 = arith.constant 0 : i32
    %dma_start3A_44 = arith.constant 0 : i32
    %dma_start3A_45 = tpu.memref_slice %arg4[%dma_start3A_43, %dma_start3A_44] : memref<16384x1024xf32, #tpu.memory_space<hbm>> -> memref<16384x1024xf32, #tpu.memory_space<hbm>>
    %dma_start3A_46 = tpu.memref_slice %arg9[%rem3A_36] : memref<5x!tpu.dma_semaphore, #tpu.memory_space<semaphore_mem>> -> memref<1x!tpu.dma_semaphore, #tpu.memory_space<semaphore_mem>>
    %dma_start3A_47 = tpu.memref_squeeze %dma_start3A_46 : memref<1x!tpu.dma_semaphore, #tpu.memory_space<semaphore_mem>> -> memref<!tpu.dma_semaphore, #tpu.memory_space<semaphore_mem>>
    tpu.enqueue_indirect_dma source(%dma_start3A_45 : memref<16384x1024xf32, #tpu.memory_space<hbm>>) target(%dma_start3A_40 : memref<8x1024xf32, #tpu.memory_space<vmem>>) offsets(%dma_start3A_42 : memref<8xi32, #tpu.memory_space<vmem>>) semaphore(%dma_start3A_47 : memref<!tpu.dma_semaphore, #tpu.memory_space<semaphore_mem>>)
    %rem3A_48 = arith.constant 1 : i32
    %rem3A_49 = arith.constant 8 : i32
    %rem3A_50 = arith.remsi %rem3A_48, %rem3A_49 : i32
    %add3A_51 = arith.constant 8 : i32
    %add3A_52 = arith.addi %mul3A_2, %add3A_51 : i32
    %dma_start3A_53 = arith.constant 0 : i32
    %dma_start3A_54 = arith.constant 0 : i32
    %dma_start3A_55 = tpu.memref_slice %arg8[%rem3A_50, %dma_start3A_53, %dma_start3A_54] : memref<8x8x1024xf32, #tpu.memory_space<vmem>> -> memref<1x8x1024xf32, #tpu.memory_space<vmem>>
    %dma_start3A_56 = tpu.memref_squeeze %dma_start3A_55 : memref<1x8x1024xf32, #tpu.memory_space<vmem>> -> memref<8x1024xf32, #tpu.memory_space<vmem>>
    %dma_start3A_57 = arith.constant 0 : i32
    %dma_start3A_58 = tpu.memref_slice %arg2[%add3A_52, %dma_start3A_57] : memref<32768x1024xf32, #tpu.memory_space<hbm>> -> memref<8x1024xf32, #tpu.memory_space<hbm>>
    %dma_start3A_59 = tpu.memref_slice %arg10[%rem3A_50] : memref<8x!tpu.dma_semaphore, #tpu.memory_space<semaphore_mem>> -> memref<1x!tpu.dma_semaphore, #tpu.memory_space<semaphore_mem>>
    %dma_start3A_60 = tpu.memref_squeeze %dma_start3A_59 : memref<1x!tpu.dma_semaphore, #tpu.memory_space<semaphore_mem>> -> memref<!tpu.dma_semaphore, #tpu.memory_space<semaphore_mem>>
    %dma_start3A_61 = arith.constant 0 : i32
    %dma_start3A_62 = arith.constant 0 : i32
    %dma_start3A_63 = tpu.memref_slice %arg8[%rem3A_50, %dma_start3A_61, %dma_start3A_62] : memref<8x8x1024xf32, #tpu.memory_space<vmem>> -> memref<1x8x1024xf32, #tpu.memory_space<vmem>>
    %dma_start3A_64 = tpu.memref_squeeze %dma_start3A_63 : memref<1x8x1024xf32, #tpu.memory_space<vmem>> -> memref<8x1024xf32, #tpu.memory_space<vmem>>
    %dma_start3A_65 = arith.constant 0 : i32
    %dma_start3A_66 = tpu.memref_slice %arg2[%add3A_52, %dma_start3A_65] : memref<32768x1024xf32, #tpu.memory_space<hbm>> -> memref<8x1024xf32, #tpu.memory_space<hbm>>
    tpu.enqueue_dma source(%dma_start3A_66 : memref<8x1024xf32, #tpu.memory_space<hbm>>) target(%dma_start3A_64 : memref<8x1024xf32, #tpu.memory_space<vmem>>) target_semaphore(%dma_start3A_60 : memref<!tpu.dma_semaphore, #tpu.memory_space<semaphore_mem>>)
    %rem3A_67 = arith.constant 2 : i32
    %rem3A_68 = arith.constant 5 : i32
    %rem3A_69 = arith.remsi %rem3A_67, %rem3A_68 : i32
    %dma_start3A_70 = arith.constant 0 : i32
    %dma_start3A_71 = arith.constant 0 : i32
    %dma_start3A_72 = tpu.memref_slice %arg7[%rem3A_69, %dma_start3A_70, %dma_start3A_71] : memref<5x8x1024xf32, #tpu.memory_space<vmem>> -> memref<1x8x1024xf32, #tpu.memory_space<vmem>>
    %dma_start3A_73 = tpu.memref_squeeze %dma_start3A_72 : memref<1x8x1024xf32, #tpu.memory_space<vmem>> -> memref<8x1024xf32, #tpu.memory_space<vmem>>
    %dma_start3A_74 = arith.constant 16 : i32
    %dma_start3A_75 = tpu.memref_slice %arg6[%dma_start3A_74] : memref<1024xi32, #tpu.memory_space<vmem>> -> memref<8xi32, #tpu.memory_space<vmem>>
    %dma_start3A_76 = arith.constant 0 : i32
    %dma_start3A_77 = arith.constant 0 : i32
    %dma_start3A_78 = tpu.memref_slice %arg4[%dma_start3A_76, %dma_start3A_77] : memref<16384x1024xf32, #tpu.memory_space<hbm>> -> memref<16384x1024xf32, #tpu.memory_space<hbm>>
    %dma_start3A_79 = tpu.memref_slice %arg9[%rem3A_69] : memref<5x!tpu.dma_semaphore, #tpu.memory_space<semaphore_mem>> -> memref<1x!tpu.dma_semaphore, #tpu.memory_space<semaphore_mem>>
    %dma_start3A_80 = tpu.memref_squeeze %dma_start3A_79 : memref<1x!tpu.dma_semaphore, #tpu.memory_space<semaphore_mem>> -> memref<!tpu.dma_semaphore, #tpu.memory_space<semaphore_mem>>
    tpu.enqueue_indirect_dma source(%dma_start3A_78 : memref<16384x1024xf32, #tpu.memory_space<hbm>>) target(%dma_start3A_73 : memref<8x1024xf32, #tpu.memory_space<vmem>>) offsets(%dma_start3A_75 : memref<8xi32, #tpu.memory_space<vmem>>) semaphore(%dma_start3A_80 : memref<!tpu.dma_semaphore, #tpu.memory_space<semaphore_mem>>)
    %rem3A_81 = arith.constant 2 : i32
    %rem3A_82 = arith.constant 8 : i32
    %rem3A_83 = arith.remsi %rem3A_81, %rem3A_82 : i32
    %add3A_84 = arith.constant 16 : i32
    %add3A_85 = arith.addi %mul3A_2, %add3A_84 : i32
    %dma_start3A_86 = arith.constant 0 : i32
    %dma_start3A_87 = arith.constant 0 : i32
    %dma_start3A_88 = tpu.memref_slice %arg8[%rem3A_83, %dma_start3A_86, %dma_start3A_87] : memref<8x8x1024xf32, #tpu.memory_space<vmem>> -> memref<1x8x1024xf32, #tpu.memory_space<vmem>>
    %dma_start3A_89 = tpu.memref_squeeze %dma_start3A_88 : memref<1x8x1024xf32, #tpu.memory_space<vmem>> -> memref<8x1024xf32, #tpu.memory_space<vmem>>
    %dma_start3A_90 = arith.constant 0 : i32
    %dma_start3A_91 = tpu.memref_slice %arg2[%add3A_85, %dma_start3A_90] : memref<32768x1024xf32, #tpu.memory_space<hbm>> -> memref<8x1024xf32, #tpu.memory_space<hbm>>
    %dma_start3A_92 = tpu.memref_slice %arg10[%rem3A_83] : memref<8x!tpu.dma_semaphore, #tpu.memory_space<semaphore_mem>> -> memref<1x!tpu.dma_semaphore, #tpu.memory_space<semaphore_mem>>
    %dma_start3A_93 = tpu.memref_squeeze %dma_start3A_92 : memref<1x!tpu.dma_semaphore, #tpu.memory_space<semaphore_mem>> -> memref<!tpu.dma_semaphore, #tpu.memory_space<semaphore_mem>>
    %dma_start3A_94 = arith.constant 0 : i32
    %dma_start3A_95 = arith.constant 0 : i32
    %dma_start3A_96 = tpu.memref_slice %arg8[%rem3A_83, %dma_start3A_94, %dma_start3A_95] : memref<8x8x1024xf32, #tpu.memory_space<vmem>> -> memref<1x8x1024xf32, #tpu.memory_space<vmem>>
    %dma_start3A_97 = tpu.memref_squeeze %dma_start3A_96 : memref<1x8x1024xf32, #tpu.memory_space<vmem>> -> memref<8x1024xf32, #tpu.memory_space<vmem>>
    %dma_start3A_98 = arith.constant 0 : i32
    %dma_start3A_99 = tpu.memref_slice %arg2[%add3A_85, %dma_start3A_98] : memref<32768x1024xf32, #tpu.memory_space<hbm>> -> memref<8x1024xf32, #tpu.memory_space<hbm>>
    tpu.enqueue_dma source(%dma_start3A_99 : memref<8x1024xf32, #tpu.memory_space<hbm>>) target(%dma_start3A_97 : memref<8x1024xf32, #tpu.memory_space<vmem>>) target_semaphore(%dma_start3A_93 : memref<!tpu.dma_semaphore, #tpu.memory_space<semaphore_mem>>)
    %rem3A_100 = arith.constant 3 : i32
    %rem3A_101 = arith.constant 5 : i32
    %rem3A_102 = arith.remsi %rem3A_100, %rem3A_101 : i32
    %dma_start3A_103 = arith.constant 0 : i32
    %dma_start3A_104 = arith.constant 0 : i32
    %dma_start3A_105 = tpu.memref_slice %arg7[%rem3A_102, %dma_start3A_103, %dma_start3A_104] : memref<5x8x1024xf32, #tpu.memory_space<vmem>> -> memref<1x8x1024xf32, #tpu.memory_space<vmem>>
    %dma_start3A_106 = tpu.memref_squeeze %dma_start3A_105 : memref<1x8x1024xf32, #tpu.memory_space<vmem>> -> memref<8x1024xf32, #tpu.memory_space<vmem>>
    %dma_start3A_107 = arith.constant 24 : i32
    %dma_start3A_108 = tpu.memref_slice %arg6[%dma_start3A_107] : memref<1024xi32, #tpu.memory_space<vmem>> -> memref<8xi32, #tpu.memory_space<vmem>>
    %dma_start3A_109 = arith.constant 0 : i32
    %dma_start3A_110 = arith.constant 0 : i32
    %dma_start3A_111 = tpu.memref_slice %arg4[%dma_start3A_109, %dma_start3A_110] : memref<16384x1024xf32, #tpu.memory_space<hbm>> -> memref<16384x1024xf32, #tpu.memory_space<hbm>>
    %dma_start3A_112 = tpu.memref_slice %arg9[%rem3A_102] : memref<5x!tpu.dma_semaphore, #tpu.memory_space<semaphore_mem>> -> memref<1x!tpu.dma_semaphore, #tpu.memory_space<semaphore_mem>>
    %dma_start3A_113 = tpu.memref_squeeze %dma_start3A_112 : memref<1x!tpu.dma_semaphore, #tpu.memory_space<semaphore_mem>> -> memref<!tpu.dma_semaphore, #tpu.memory_space<semaphore_mem>>
    tpu.enqueue_indirect_dma source(%dma_start3A_111 : memref<16384x1024xf32, #tpu.memory_space<hbm>>) target(%dma_start3A_106 : memref<8x1024xf32, #tpu.memory_space<vmem>>) offsets(%dma_start3A_108 : memref<8xi32, #tpu.memory_space<vmem>>) semaphore(%dma_start3A_113 : memref<!tpu.dma_semaphore, #tpu.memory_space<semaphore_mem>>)
    %rem3A_114 = arith.constant 3 : i32
    %rem3A_115 = arith.constant 8 : i32
    %rem3A_116 = arith.remsi %rem3A_114, %rem3A_115 : i32
    %add3A_117 = arith.constant 24 : i32
    %add3A_118 = arith.addi %mul3A_2, %add3A_117 : i32
    %dma_start3A_119 = arith.constant 0 : i32
    %dma_start3A_120 = arith.constant 0 : i32
    %dma_start3A_121 = tpu.memref_slice %arg8[%rem3A_116, %dma_start3A_119, %dma_start3A_120] : memref<8x8x1024xf32, #tpu.memory_space<vmem>> -> memref<1x8x1024xf32, #tpu.memory_space<vmem>>
    %dma_start3A_122 = tpu.memref_squeeze %dma_start3A_121 : memref<1x8x1024xf32, #tpu.memory_space<vmem>> -> memref<8x1024xf32, #tpu.memory_space<vmem>>
    %dma_start3A_123 = arith.constant 0 : i32
    %dma_start3A_124 = tpu.memref_slice %arg2[%add3A_118, %dma_start3A_123] : memref<32768x1024xf32, #tpu.memory_space<hbm>> -> memref<8x1024xf32, #tpu.memory_space<hbm>>
    %dma_start3A_125 = tpu.memref_slice %arg10[%rem3A_116] : memref<8x!tpu.dma_semaphore, #tpu.memory_space<semaphore_mem>> -> memref<1x!tpu.dma_semaphore, #tpu.memory_space<semaphore_mem>>
    %dma_start3A_126 = tpu.memref_squeeze %dma_start3A_125 : memref<1x!tpu.dma_semaphore, #tpu.memory_space<semaphore_mem>> -> memref<!tpu.dma_semaphore, #tpu.memory_space<semaphore_mem>>
    %dma_start3A_127 = arith.constant 0 : i32
    %dma_start3A_128 = arith.constant 0 : i32
    %dma_start3A_129 = tpu.memref_slice %arg8[%rem3A_116, %dma_start3A_127, %dma_start3A_128] : memref<8x8x1024xf32, #tpu.memory_space<vmem>> -> memref<1x8x1024xf32, #tpu.memory_space<vmem>>
    %dma_start3A_130 = tpu.memref_squeeze %dma_start3A_129 : memref<1x8x1024xf32, #tpu.memory_space<vmem>> -> memref<8x1024xf32, #tpu.memory_space<vmem>>
    %dma_start3A_131 = arith.constant 0 : i32
    %dma_start3A_132 = tpu.memref_slice %arg2[%add3A_118, %dma_start3A_131] : memref<32768x1024xf32, #tpu.memory_space<hbm>> -> memref<8x1024xf32, #tpu.memory_space<hbm>>
    tpu.enqueue_dma source(%dma_start3A_132 : memref<8x1024xf32, #tpu.memory_space<hbm>>) target(%dma_start3A_130 : memref<8x1024xf32, #tpu.memory_space<vmem>>) target_semaphore(%dma_start3A_126 : memref<!tpu.dma_semaphore, #tpu.memory_space<semaphore_mem>>)
    %scan3A = arith.constant 0 : i32
    %scan3A_133 = arith.constant 0 : i32
    %scan3A_134 = arith.constant 128 : i32
    %scan3A_135 = arith.addi %scan3A_133, %scan3A_134 : i32
    %scan3A_136 = arith.constant 1 : i32
    scf.for %scan3A_213 = %scan3A_133 to %scan3A_135 step %scan3A_136  : i32 {
      %ge3A = arith.constant 4 : i32
      %ge3A_214 = arith.cmpi sge, %scan3A_213, %ge3A : i32
      %convert_element_type3A = arith.extui %ge3A_214 : i1 to i32
      %cond3A = arith.constant 0 : i32
      %cond3A_215 = arith.cmpi ne, %convert_element_type3A, %cond3A : i32
      scf.if %cond3A_215 {
        %sub3A = arith.constant 4 : i32
        %sub3A_280 = arith.subi %scan3A_213, %sub3A : i32
        %rem3A_281 = arith.constant 8 : i32
        %rem3A_282 = arith.remsi %sub3A_280, %rem3A_281 : i32
        %mul3A_283 = arith.constant 8 : i32
        %mul3A_284 = arith.muli %sub3A_280, %mul3A_283 : i32
        %add3A_285 = arith.addi %mul3A_2, %mul3A_284 : i32
        %dma_wait3A_286 = arith.constant 0 : i32
        %dma_wait3A_287 = arith.constant 0 : i32
        %dma_wait3A_288 = tpu.memref_slice %arg8[%rem3A_282, %dma_wait3A_286, %dma_wait3A_287] : memref<8x8x1024xf32, #tpu.memory_space<vmem>> -> memref<1x8x1024xf32, #tpu.memory_space<vmem>>
        %dma_wait3A_289 = tpu.memref_squeeze %dma_wait3A_288 : memref<1x8x1024xf32, #tpu.memory_space<vmem>> -> memref<8x1024xf32, #tpu.memory_space<vmem>>
        %dma_wait3A_290 = arith.constant 0 : i32
        %dma_wait3A_291 = tpu.memref_slice %arg5[%add3A_285, %dma_wait3A_290] : memref<32768x1024xf32, #tpu.memory_space<hbm>> -> memref<8x1024xf32, #tpu.memory_space<hbm>>
        %dma_wait3A_292 = tpu.memref_slice %arg11[%rem3A_282] : memref<8x!tpu.dma_semaphore, #tpu.memory_space<semaphore_mem>> -> memref<1x!tpu.dma_semaphore, #tpu.memory_space<semaphore_mem>>
        %dma_wait3A_293 = tpu.memref_squeeze %dma_wait3A_292 : memref<1x!tpu.dma_semaphore, #tpu.memory_space<semaphore_mem>> -> memref<!tpu.dma_semaphore, #tpu.memory_space<semaphore_mem>>
        %dma_wait3A_294 = arith.constant 0 : i32
        %dma_wait3A_295 = tpu.memref_slice %arg5[%add3A_285, %dma_wait3A_294] : memref<32768x1024xf32, #tpu.memory_space<hbm>> -> memref<8x1024xf32, #tpu.memory_space<hbm>>
        %dma_wait3A_296 = arith.constant 0 : i32
        %dma_wait3A_297 = arith.constant 0 : i32
        %dma_wait3A_298 = tpu.memref_slice %arg8[%rem3A_282, %dma_wait3A_296, %dma_wait3A_297] : memref<8x8x1024xf32, #tpu.memory_space<vmem>> -> memref<1x8x1024xf32, #tpu.memory_space<vmem>>
        %dma_wait3A_299 = tpu.memref_squeeze %dma_wait3A_298 : memref<1x8x1024xf32, #tpu.memory_space<vmem>> -> memref<8x1024xf32, #tpu.memory_space<vmem>>
        tpu.wait_dma2 semaphore(%dma_wait3A_293 : memref<!tpu.dma_semaphore, #tpu.memory_space<semaphore_mem>>) src(%dma_wait3A_299 : memref<8x1024xf32, #tpu.memory_space<vmem>>) dst(%dma_wait3A_295 : memref<8x1024xf32, #tpu.memory_space<hbm>>)
      } else {
      }
      %add3A_216 = arith.constant 4 : i32
      %add3A_217 = arith.addi %scan3A_213, %add3A_216 : i32
      %lt3A = arith.constant 128 : i32
      %lt3A_218 = arith.cmpi slt, %add3A_217, %lt3A : i32
      %convert_element_type3A_219 = arith.extui %lt3A_218 : i1 to i32
      %cond3A_220 = arith.constant 0 : i32
      %cond3A_221 = arith.cmpi ne, %convert_element_type3A_219, %cond3A_220 : i32
      scf.if %cond3A_221 {
        %add3A_280 = arith.constant 4 : i32
        %add3A_281 = arith.addi %scan3A_213, %add3A_280 : i32
        %rem3A_282 = arith.constant 5 : i32
        %rem3A_283 = arith.remsi %add3A_281, %rem3A_282 : i32
        %mul3A_284 = arith.constant 8 : i32
        %mul3A_285 = arith.muli %add3A_281, %mul3A_284 : i32
        %dma_start3A_286 = arith.constant 0 : i32
        %dma_start3A_287 = arith.constant 0 : i32
        %dma_start3A_288 = tpu.memref_slice %arg7[%rem3A_283, %dma_start3A_286, %dma_start3A_287] : memref<5x8x1024xf32, #tpu.memory_space<vmem>> -> memref<1x8x1024xf32, #tpu.memory_space<vmem>>
        %dma_start3A_289 = tpu.memref_squeeze %dma_start3A_288 : memref<1x8x1024xf32, #tpu.memory_space<vmem>> -> memref<8x1024xf32, #tpu.memory_space<vmem>>
        %dma_start3A_290 = tpu.memref_slice %arg6[%mul3A_285] : memref<1024xi32, #tpu.memory_space<vmem>> -> memref<8xi32, #tpu.memory_space<vmem>>
        %dma_start3A_291 = arith.constant 0 : i32
        %dma_start3A_292 = arith.constant 0 : i32
        %dma_start3A_293 = tpu.memref_slice %arg4[%dma_start3A_291, %dma_start3A_292] : memref<16384x1024xf32, #tpu.memory_space<hbm>> -> memref<16384x1024xf32, #tpu.memory_space<hbm>>
        %dma_start3A_294 = tpu.memref_slice %arg9[%rem3A_283] : memref<5x!tpu.dma_semaphore, #tpu.memory_space<semaphore_mem>> -> memref<1x!tpu.dma_semaphore, #tpu.memory_space<semaphore_mem>>
        %dma_start3A_295 = tpu.memref_squeeze %dma_start3A_294 : memref<1x!tpu.dma_semaphore, #tpu.memory_space<semaphore_mem>> -> memref<!tpu.dma_semaphore, #tpu.memory_space<semaphore_mem>>
        tpu.enqueue_indirect_dma source(%dma_start3A_293 : memref<16384x1024xf32, #tpu.memory_space<hbm>>) target(%dma_start3A_289 : memref<8x1024xf32, #tpu.memory_space<vmem>>) offsets(%dma_start3A_290 : memref<8xi32, #tpu.memory_space<vmem>>) semaphore(%dma_start3A_295 : memref<!tpu.dma_semaphore, #tpu.memory_space<semaphore_mem>>)
        %add3A_296 = arith.constant 4 : i32
        %add3A_297 = arith.addi %scan3A_213, %add3A_296 : i32
        %rem3A_298 = arith.constant 8 : i32
        %rem3A_299 = arith.remsi %add3A_297, %rem3A_298 : i32
        %mul3A_300 = arith.constant 8 : i32
        %mul3A_301 = arith.muli %add3A_297, %mul3A_300 : i32
        %add3A_302 = arith.addi %mul3A_2, %mul3A_301 : i32
        %dma_start3A_303 = arith.constant 0 : i32
        %dma_start3A_304 = arith.constant 0 : i32
        %dma_start3A_305 = tpu.memref_slice %arg8[%rem3A_299, %dma_start3A_303, %dma_start3A_304] : memref<8x8x1024xf32, #tpu.memory_space<vmem>> -> memref<1x8x1024xf32, #tpu.memory_space<vmem>>
        %dma_start3A_306 = tpu.memref_squeeze %dma_start3A_305 : memref<1x8x1024xf32, #tpu.memory_space<vmem>> -> memref<8x1024xf32, #tpu.memory_space<vmem>>
        %dma_start3A_307 = arith.constant 0 : i32
        %dma_start3A_308 = tpu.memref_slice %arg2[%add3A_302, %dma_start3A_307] : memref<32768x1024xf32, #tpu.memory_space<hbm>> -> memref<8x1024xf32, #tpu.memory_space<hbm>>
        %dma_start3A_309 = tpu.memref_slice %arg10[%rem3A_299] : memref<8x!tpu.dma_semaphore, #tpu.memory_space<semaphore_mem>> -> memref<1x!tpu.dma_semaphore, #tpu.memory_space<semaphore_mem>>
        %dma_start3A_310 = tpu.memref_squeeze %dma_start3A_309 : memref<1x!tpu.dma_semaphore, #tpu.memory_space<semaphore_mem>> -> memref<!tpu.dma_semaphore, #tpu.memory_space<semaphore_mem>>
        %dma_start3A_311 = arith.constant 0 : i32
        %dma_start3A_312 = arith.constant 0 : i32
        %dma_start3A_313 = tpu.memref_slice %arg8[%rem3A_299, %dma_start3A_311, %dma_start3A_312] : memref<8x8x1024xf32, #tpu.memory_space<vmem>> -> memref<1x8x1024xf32, #tpu.memory_space<vmem>>
        %dma_start3A_314 = tpu.memref_squeeze %dma_start3A_313 : memref<1x8x1024xf32, #tpu.memory_space<vmem>> -> memref<8x1024xf32, #tpu.memory_space<vmem>>
        %dma_start3A_315 = arith.constant 0 : i32
        %dma_start3A_316 = tpu.memref_slice %arg2[%add3A_302, %dma_start3A_315] : memref<32768x1024xf32, #tpu.memory_space<hbm>> -> memref<8x1024xf32, #tpu.memory_space<hbm>>
        tpu.enqueue_dma source(%dma_start3A_316 : memref<8x1024xf32, #tpu.memory_space<hbm>>) target(%dma_start3A_314 : memref<8x1024xf32, #tpu.memory_space<vmem>>) target_semaphore(%dma_start3A_310 : memref<!tpu.dma_semaphore, #tpu.memory_space<semaphore_mem>>)
      } else {
      }
      %rem3A_222 = arith.constant 5 : i32
      %rem3A_223 = arith.remsi %scan3A_213, %rem3A_222 : i32
      %mul3A_224 = arith.constant 8 : i32
      %mul3A_225 = arith.muli %scan3A_213, %mul3A_224 : i32
      %dma_wait3A_226 = arith.constant 0 : i32
      %dma_wait3A_227 = arith.constant 0 : i32
      %dma_wait3A_228 = tpu.memref_slice %arg7[%rem3A_223, %dma_wait3A_226, %dma_wait3A_227] : memref<5x8x1024xf32, #tpu.memory_space<vmem>> -> memref<1x8x1024xf32, #tpu.memory_space<vmem>>
      %dma_wait3A_229 = tpu.memref_squeeze %dma_wait3A_228 : memref<1x8x1024xf32, #tpu.memory_space<vmem>> -> memref<8x1024xf32, #tpu.memory_space<vmem>>
      %dma_wait3A_230 = tpu.memref_slice %arg6[%mul3A_225] : memref<1024xi32, #tpu.memory_space<vmem>> -> memref<8xi32, #tpu.memory_space<vmem>>
      %dma_wait3A_231 = arith.constant 0 : i32
      %dma_wait3A_232 = arith.constant 0 : i32
      %dma_wait3A_233 = tpu.memref_slice %arg4[%dma_wait3A_231, %dma_wait3A_232] : memref<16384x1024xf32, #tpu.memory_space<hbm>> -> memref<16384x1024xf32, #tpu.memory_space<hbm>>
      %dma_wait3A_234 = tpu.memref_slice %arg9[%rem3A_223] : memref<5x!tpu.dma_semaphore, #tpu.memory_space<semaphore_mem>> -> memref<1x!tpu.dma_semaphore, #tpu.memory_space<semaphore_mem>>
      %dma_wait3A_235 = tpu.memref_squeeze %dma_wait3A_234 : memref<1x!tpu.dma_semaphore, #tpu.memory_space<semaphore_mem>> -> memref<!tpu.dma_semaphore, #tpu.memory_space<semaphore_mem>>
      tpu.wait_indirect_dma semaphore(%dma_wait3A_235 : memref<!tpu.dma_semaphore, #tpu.memory_space<semaphore_mem>>) src(%dma_wait3A_233 : memref<16384x1024xf32, #tpu.memory_space<hbm>>) dst(%dma_wait3A_229 : memref<8x1024xf32, #tpu.memory_space<vmem>>)
      %rem3A_236 = arith.constant 8 : i32
      %rem3A_237 = arith.remsi %scan3A_213, %rem3A_236 : i32
      %mul3A_238 = arith.constant 8 : i32
      %mul3A_239 = arith.muli %scan3A_213, %mul3A_238 : i32
      %add3A_240 = arith.addi %mul3A_2, %mul3A_239 : i32
      %dma_wait3A_241 = arith.constant 0 : i32
      %dma_wait3A_242 = arith.constant 0 : i32
      %dma_wait3A_243 = tpu.memref_slice %arg8[%rem3A_237, %dma_wait3A_241, %dma_wait3A_242] : memref<8x8x1024xf32, #tpu.memory_space<vmem>> -> memref<1x8x1024xf32, #tpu.memory_space<vmem>>
      %dma_wait3A_244 = tpu.memref_squeeze %dma_wait3A_243 : memref<1x8x1024xf32, #tpu.memory_space<vmem>> -> memref<8x1024xf32, #tpu.memory_space<vmem>>
      %dma_wait3A_245 = arith.constant 0 : i32
      %dma_wait3A_246 = tpu.memref_slice %arg2[%add3A_240, %dma_wait3A_245] : memref<32768x1024xf32, #tpu.memory_space<hbm>> -> memref<8x1024xf32, #tpu.memory_space<hbm>>
      %dma_wait3A_247 = tpu.memref_slice %arg10[%rem3A_237] : memref<8x!tpu.dma_semaphore, #tpu.memory_space<semaphore_mem>> -> memref<1x!tpu.dma_semaphore, #tpu.memory_space<semaphore_mem>>
      %dma_wait3A_248 = tpu.memref_squeeze %dma_wait3A_247 : memref<1x!tpu.dma_semaphore, #tpu.memory_space<semaphore_mem>> -> memref<!tpu.dma_semaphore, #tpu.memory_space<semaphore_mem>>
      %dma_wait3A_249 = arith.constant 0 : i32
      %dma_wait3A_250 = arith.constant 0 : i32
      %dma_wait3A_251 = tpu.memref_slice %arg8[%rem3A_237, %dma_wait3A_249, %dma_wait3A_250] : memref<8x8x1024xf32, #tpu.memory_space<vmem>> -> memref<1x8x1024xf32, #tpu.memory_space<vmem>>
      %dma_wait3A_252 = tpu.memref_squeeze %dma_wait3A_251 : memref<1x8x1024xf32, #tpu.memory_space<vmem>> -> memref<8x1024xf32, #tpu.memory_space<vmem>>
      %dma_wait3A_253 = arith.constant 0 : i32
      %dma_wait3A_254 = tpu.memref_slice %arg2[%add3A_240, %dma_wait3A_253] : memref<32768x1024xf32, #tpu.memory_space<hbm>> -> memref<8x1024xf32, #tpu.memory_space<hbm>>
      tpu.wait_dma2 semaphore(%dma_wait3A_248 : memref<!tpu.dma_semaphore, #tpu.memory_space<semaphore_mem>>) src(%dma_wait3A_254 : memref<8x1024xf32, #tpu.memory_space<hbm>>) dst(%dma_wait3A_252 : memref<8x1024xf32, #tpu.memory_space<vmem>>)
      %rem3A_255 = arith.constant 5 : i32
      %rem3A_256 = arith.remsi %scan3A_213, %rem3A_255 : i32
      %rem3A_257 = arith.constant 8 : i32
      %rem3A_258 = arith.remsi %scan3A_213, %rem3A_257 : i32
      %parallel_loop3A = arith.constant 0 : i32
      %parallel_loop3A_259 = arith.constant 8 : i32
      %parallel_loop3A_260 = arith.constant 1 : i32
      scf.for %parallel_loop3A_280 = %parallel_loop3A to %parallel_loop3A_259 step %parallel_loop3A_260  : i32 {
        %parallel_loop3A_281 = arith.index_cast %rem3A_256 : i32 to index
        %parallel_loop3A_282 = arith.index_cast %parallel_loop3A_280 : i32 to index
        %parallel_loop3A_283 = arith.constant 0 : index
        %parallel_loop3A_284 = tpu.vector_load %arg7[%parallel_loop3A_281, %parallel_loop3A_282, %parallel_loop3A_283] {strides = array<i32>} : memref<5x8x1024xf32, #tpu.memory_space<vmem>>, vector<1x1x16xf32>,
        %parallel_loop3A_285 = vector.shape_cast %parallel_loop3A_284 : vector<1x1x16xf32> to vector<16xf32>
        %parallel_loop3A_286 = arith.index_cast %rem3A_258 : i32 to index
        %parallel_loop3A_287 = arith.index_cast %parallel_loop3A_280 : i32 to index
        %parallel_loop3A_288 = arith.constant 0 : index
        %parallel_loop3A_289 = tpu.vector_load %arg8[%parallel_loop3A_286, %parallel_loop3A_287, %parallel_loop3A_288] {strides = array<i32>} : memref<8x8x1024xf32, #tpu.memory_space<vmem>>, vector<1x1x16xf32>,
        %parallel_loop3A_290 = vector.shape_cast %parallel_loop3A_289 : vector<1x1x16xf32> to vector<16xf32>
        %parallel_loop3A_291 = vector.shape_cast %parallel_loop3A_285 : vector<16xf32> to vector<1x1x16xf32>
        tpu.vector_store %arg8[%parallel_loop3A_286, %parallel_loop3A_287, %parallel_loop3A_288], %parallel_loop3A_291 {add = true, strides = array<i32>} : memref<8x8x1024xf32, #tpu.memory_space<vmem>>, vector<1x1x16xf32>,
        %parallel_loop3A_292 = arith.index_cast %rem3A_256 : i32 to index
        %parallel_loop3A_293 = arith.index_cast %parallel_loop3A_280 : i32 to index
        %parallel_loop3A_294 = arith.constant 16 : index
        %parallel_loop3A_295 = tpu.vector_load %arg7[%parallel_loop3A_292, %parallel_loop3A_293, %parallel_loop3A_294] {strides = array<i32>} : memref<5x8x1024xf32, #tpu.memory_space<vmem>>, vector<1x1x16xf32>,
        %parallel_loop3A_296 = vector.shape_cast %parallel_loop3A_295 : vector<1x1x16xf32> to vector<16xf32>
        %parallel_loop3A_297 = arith.index_cast %rem3A_258 : i32 to index
        %parallel_loop3A_298 = arith.index_cast %parallel_loop3A_280 : i32 to index
        %parallel_loop3A_299 = arith.constant 16 : index
        %parallel_loop3A_300 = tpu.vector_load %arg8[%parallel_loop3A_297, %parallel_loop3A_298, %parallel_loop3A_299] {strides = array<i32>} : memref<8x8x1024xf32, #tpu.memory_space<vmem>>, vector<1x1x16xf32>,
        %parallel_loop3A_301 = vector.shape_cast %parallel_loop3A_300 : vector<1x1x16xf32> to vector<16xf32>
        %parallel_loop3A_302 = vector.shape_cast %parallel_loop3A_296 : vector<16xf32> to vector<1x1x16xf32>
        tpu.vector_store %arg8[%parallel_loop3A_297, %parallel_loop3A_298, %parallel_loop3A_299], %parallel_loop3A_302 {add = true, strides = array<i32>} : memref<8x8x1024xf32, #tpu.memory_space<vmem>>, vector<1x1x16xf32>,
        %parallel_loop3A_303 = arith.index_cast %rem3A_256 : i32 to index
        %parallel_loop3A_304 = arith.index_cast %parallel_loop3A_280 : i32 to index
        %parallel_loop3A_305 = arith.constant 32 : index
        %parallel_loop3A_306 = tpu.vector_load %arg7[%parallel_loop3A_303, %parallel_loop3A_304, %parallel_loop3A_305] {strides = array<i32>} : memref<5x8x1024xf32, #tpu.memory_space<vmem>>, vector<1x1x16xf32>,
        %parallel_loop3A_307 = vector.shape_cast %parallel_loop3A_306 : vector<1x1x16xf32> to vector<16xf32>
        %parallel_loop3A_308 = arith.index_cast %rem3A_258 : i32 to index
        %parallel_loop3A_309 = arith.index_cast %parallel_loop3A_280 : i32 to index
        %parallel_loop3A_310 = arith.constant 32 : index
        %parallel_loop3A_311 = tpu.vector_load %arg8[%parallel_loop3A_308, %parallel_loop3A_309, %parallel_loop3A_310] {strides = array<i32>} : memref<8x8x1024xf32, #tpu.memory_space<vmem>>, vector<1x1x16xf32>,
        %parallel_loop3A_312 = vector.shape_cast %parallel_loop3A_311 : vector<1x1x16xf32> to vector<16xf32>
        %parallel_loop3A_313 = vector.shape_cast %parallel_loop3A_307 : vector<16xf32> to vector<1x1x16xf32>
        tpu.vector_store %arg8[%parallel_loop3A_308, %parallel_loop3A_309, %parallel_loop3A_310], %parallel_loop3A_313 {add = true, strides = array<i32>} : memref<8x8x1024xf32, #tpu.memory_space<vmem>>, vector<1x1x16xf32>,
        %parallel_loop3A_314 = arith.index_cast %rem3A_256 : i32 to index
        %parallel_loop3A_315 = arith.index_cast %parallel_loop3A_280 : i32 to index
        %parallel_loop3A_316 = arith.constant 48 : index
        %parallel_loop3A_317 = tpu.vector_load %arg7[%parallel_loop3A_314, %parallel_loop3A_315, %parallel_loop3A_316] {strides = array<i32>} : memref<5x8x1024xf32, #tpu.memory_space<vmem>>, vector<1x1x16xf32>,
        %parallel_loop3A_318 = vector.shape_cast %parallel_loop3A_317 : vector<1x1x16xf32> to vector<16xf32>
        %parallel_loop3A_319 = arith.index_cast %rem3A_258 : i32 to index
        %parallel_loop3A_320 = arith.index_cast %parallel_loop3A_280 : i32 to index
        %parallel_loop3A_321 = arith.constant 48 : index
        %parallel_loop3A_322 = tpu.vector_load %arg8[%parallel_loop3A_319, %parallel_loop3A_320, %parallel_loop3A_321] {strides = array<i32>} : memref<8x8x1024xf32, #tpu.memory_space<vmem>>, vector<1x1x16xf32>,
        %parallel_loop3A_323 = vector.shape_cast %parallel_loop3A_322 : vector<1x1x16xf32> to vector<16xf32>
        %parallel_loop3A_324 = vector.shape_cast %parallel_loop3A_318 : vector<16xf32> to vector<1x1x16xf32>
        tpu.vector_store %arg8[%parallel_loop3A_319, %parallel_loop3A_320, %parallel_loop3A_321], %parallel_loop3A_324 {add = true, strides = array<i32>} : memref<8x8x1024xf32, #tpu.memory_space<vmem>>, vector<1x1x16xf32>,
        %parallel_loop3A_325 = arith.index_cast %rem3A_256 : i32 to index
        %parallel_loop3A_326 = arith.index_cast %parallel_loop3A_280 : i32 to index
        %parallel_loop3A_327 = arith.constant 64 : index
        %parallel_loop3A_328 = tpu.vector_load %arg7[%parallel_loop3A_325, %parallel_loop3A_326, %parallel_loop3A_327] {strides = array<i32>} : memref<5x8x1024xf32, #tpu.memory_space<vmem>>, vector<1x1x16xf32>,
        %parallel_loop3A_329 = vector.shape_cast %parallel_loop3A_328 : vector<1x1x16xf32> to vector<16xf32>
        %parallel_loop3A_330 = arith.index_cast %rem3A_258 : i32 to index
        %parallel_loop3A_331 = arith.index_cast %parallel_loop3A_280 : i32 to index
        %parallel_loop3A_332 = arith.constant 64 : index
        %parallel_loop3A_333 = tpu.vector_load %arg8[%parallel_loop3A_330, %parallel_loop3A_331, %parallel_loop3A_332] {strides = array<i32>} : memref<8x8x1024xf32, #tpu.memory_space<vmem>>, vector<1x1x16xf32>,
        %parallel_loop3A_334 = vector.shape_cast %parallel_loop3A_333 : vector<1x1x16xf32> to vector<16xf32>
        %parallel_loop3A_335 = vector.shape_cast %parallel_loop3A_329 : vector<16xf32> to vector<1x1x16xf32>
        tpu.vector_store %arg8[%parallel_loop3A_330, %parallel_loop3A_331, %parallel_loop3A_332], %parallel_loop3A_335 {add = true, strides = array<i32>} : memref<8x8x1024xf32, #tpu.memory_space<vmem>>, vector<1x1x16xf32>,
        %parallel_loop3A_336 = arith.index_cast %rem3A_256 : i32 to index
        %parallel_loop3A_337 = arith.index_cast %parallel_loop3A_280 : i32 to index
        %parallel_loop3A_338 = arith.constant 80 : index
        %parallel_loop3A_339 = tpu.vector_load %arg7[%parallel_loop3A_336, %parallel_loop3A_337, %parallel_loop3A_338] {strides = array<i32>} : memref<5x8x1024xf32, #tpu.memory_space<vmem>>, vector<1x1x16xf32>,
        %parallel_loop3A_340 = vector.shape_cast %parallel_loop3A_339 : vector<1x1x16xf32> to vector<16xf32>
        %parallel_loop3A_341 = arith.index_cast %rem3A_258 : i32 to index
        %parallel_loop3A_342 = arith.index_cast %parallel_loop3A_280 : i32 to index
        %parallel_loop3A_343 = arith.constant 80 : index
        %parallel_loop3A_344 = tpu.vector_load %arg8[%parallel_loop3A_341, %parallel_loop3A_342, %parallel_loop3A_343] {strides = array<i32>} : memref<8x8x1024xf32, #tpu.memory_space<vmem>>, vector<1x1x16xf32>,
        %parallel_loop3A_345 = vector.shape_cast %parallel_loop3A_344 : vector<1x1x16xf32> to vector<16xf32>
        %parallel_loop3A_346 = vector.shape_cast %parallel_loop3A_340 : vector<16xf32> to vector<1x1x16xf32>
        tpu.vector_store %arg8[%parallel_loop3A_341, %parallel_loop3A_342, %parallel_loop3A_343], %parallel_loop3A_346 {add = true, strides = array<i32>} : memref<8x8x1024xf32, #tpu.memory_space<vmem>>, vector<1x1x16xf32>,
        %parallel_loop3A_347 = arith.index_cast %rem3A_256 : i32 to index
        %parallel_loop3A_348 = arith.index_cast %parallel_loop3A_280 : i32 to index
        %parallel_loop3A_349 = arith.constant 96 : index
        %parallel_loop3A_350 = tpu.vector_load %arg7[%parallel_loop3A_347, %parallel_loop3A_348, %parallel_loop3A_349] {strides = array<i32>} : memref<5x8x1024xf32, #tpu.memory_space<vmem>>, vector<1x1x16xf32>,
        %parallel_loop3A_351 = vector.shape_cast %parallel_loop3A_350 : vector<1x1x16xf32> to vector<16xf32>
        %parallel_loop3A_352 = arith.index_cast %rem3A_258 : i32 to index
        %parallel_loop3A_353 = arith.index_cast %parallel_loop3A_280 : i32 to index
        %parallel_loop3A_354 = arith.constant 96 : index
        %parallel_loop3A_355 = tpu.vector_load %arg8[%parallel_loop3A_352, %parallel_loop3A_353, %parallel_loop3A_354] {strides = array<i32>} : memref<8x8x1024xf32, #tpu.memory_space<vmem>>, vector<1x1x16xf32>,
        %parallel_loop3A_356 = vector.shape_cast %parallel_loop3A_355 : vector<1x1x16xf32> to vector<16xf32>
        %parallel_loop3A_357 = vector.shape_cast %parallel_loop3A_351 : vector<16xf32> to vector<1x1x16xf32>
        tpu.vector_store %arg8[%parallel_loop3A_352, %parallel_loop3A_353, %parallel_loop3A_354], %parallel_loop3A_357 {add = true, strides = array<i32>} : memref<8x8x1024xf32, #tpu.memory_space<vmem>>, vector<1x1x16xf32>,
        %parallel_loop3A_358 = arith.index_cast %rem3A_256 : i32 to index
        %parallel_loop3A_359 = arith.index_cast %parallel_loop3A_280 : i32 to index
        %parallel_loop3A_360 = arith.constant 112 : index
        %parallel_loop3A_361 = tpu.vector_load %arg7[%parallel_loop3A_358, %parallel_loop3A_359, %parallel_loop3A_360] {strides = array<i32>} : memref<5x8x1024xf32, #tpu.memory_space<vmem>>, vector<1x1x16xf32>,
        %parallel_loop3A_362 = vector.shape_cast %parallel_loop3A_361 : vector<1x1x16xf32> to vector<16xf32>
        %parallel_loop3A_363 = arith.index_cast %rem3A_258 : i32 to index
        %parallel_loop3A_364 = arith.index_cast %parallel_loop3A_280 : i32 to index
        %parallel_loop3A_365 = arith.constant 112 : index
        %parallel_loop3A_366 = tpu.vector_load %arg8[%parallel_loop3A_363, %parallel_loop3A_364, %parallel_loop3A_365] {strides = array<i32>} : memref<8x8x1024xf32, #tpu.memory_space<vmem>>, vector<1x1x16xf32>,
        %parallel_loop3A_367 = vector.shape_cast %parallel_loop3A_366 : vector<1x1x16xf32> to vector<16xf32>
        %parallel_loop3A_368 = vector.shape_cast %parallel_loop3A_362 : vector<16xf32> to vector<1x1x16xf32>
        tpu.vector_store %arg8[%parallel_loop3A_363, %parallel_loop3A_364, %parallel_loop3A_365], %parallel_loop3A_368 {add = true, strides = array<i32>} : memref<8x8x1024xf32, #tpu.memory_space<vmem>>, vector<1x1x16xf32>,
        %parallel_loop3A_369 = arith.index_cast %rem3A_256 : i32 to index
        %parallel_loop3A_370 = arith.index_cast %parallel_loop3A_280 : i32 to index
        %parallel_loop3A_371 = arith.constant 128 : index
        %parallel_loop3A_372 = tpu.vector_load %arg7[%parallel_loop3A_369, %parallel_loop3A_370, %parallel_loop3A_371] {strides = array<i32>} : memref<5x8x1024xf32, #tpu.memory_space<vmem>>, vector<1x1x16xf32>,
        %parallel_loop3A_373 = vector.shape_cast %parallel_loop3A_372 : vector<1x1x16xf32> to vector<16xf32>
        %parallel_loop3A_374 = arith.index_cast %rem3A_258 : i32 to index
        %parallel_loop3A_375 = arith.index_cast %parallel_loop3A_280 : i32 to index
        %parallel_loop3A_376 = arith.constant 128 : index
        %parallel_loop3A_377 = tpu.vector_load %arg8[%parallel_loop3A_374, %parallel_loop3A_375, %parallel_loop3A_376] {strides = array<i32>} : memref<8x8x1024xf32, #tpu.memory_space<vmem>>, vector<1x1x16xf32>,
        %parallel_loop3A_378 = vector.shape_cast %parallel_loop3A_377 : vector<1x1x16xf32> to vector<16xf32>
        %parallel_loop3A_379 = vector.shape_cast %parallel_loop3A_373 : vector<16xf32> to vector<1x1x16xf32>
        tpu.vector_store %arg8[%parallel_loop3A_374, %parallel_loop3A_375, %parallel_loop3A_376], %parallel_loop3A_379 {add = true, strides = array<i32>} : memref<8x8x1024xf32, #tpu.memory_space<vmem>>, vector<1x1x16xf32>,
        %parallel_loop3A_380 = arith.index_cast %rem3A_256 : i32 to index
        %parallel_loop3A_381 = arith.index_cast %parallel_loop3A_280 : i32 to index
        %parallel_loop3A_382 = arith.constant 144 : index
        %parallel_loop3A_383 = tpu.vector_load %arg7[%parallel_loop3A_380, %parallel_loop3A_381, %parallel_loop3A_382] {strides = array<i32>} : memref<5x8x1024xf32, #tpu.memory_space<vmem>>, vector<1x1x16xf32>,
        %parallel_loop3A_384 = vector.shape_cast %parallel_loop3A_383 : vector<1x1x16xf32> to vector<16xf32>
        %parallel_loop3A_385 = arith.index_cast %rem3A_258 : i32 to index
        %parallel_loop3A_386 = arith.index_cast %parallel_loop3A_280 : i32 to index
        %parallel_loop3A_387 = arith.constant 144 : index
        %parallel_loop3A_388 = tpu.vector_load %arg8[%parallel_loop3A_385, %parallel_loop3A_386, %parallel_loop3A_387] {strides = array<i32>} : memref<8x8x1024xf32, #tpu.memory_space<vmem>>, vector<1x1x16xf32>,
        %parallel_loop3A_389 = vector.shape_cast %parallel_loop3A_388 : vector<1x1x16xf32> to vector<16xf32>
        %parallel_loop3A_390 = vector.shape_cast %parallel_loop3A_384 : vector<16xf32> to vector<1x1x16xf32>
        tpu.vector_store %arg8[%parallel_loop3A_385, %parallel_loop3A_386, %parallel_loop3A_387], %parallel_loop3A_390 {add = true, strides = array<i32>} : memref<8x8x1024xf32, #tpu.memory_space<vmem>>, vector<1x1x16xf32>,
        %parallel_loop3A_391 = arith.index_cast %rem3A_256 : i32 to index
        %parallel_loop3A_392 = arith.index_cast %parallel_loop3A_280 : i32 to index
        %parallel_loop3A_393 = arith.constant 160 : index
        %parallel_loop3A_394 = tpu.vector_load %arg7[%parallel_loop3A_391, %parallel_loop3A_392, %parallel_loop3A_393] {strides = array<i32>} : memref<5x8x1024xf32, #tpu.memory_space<vmem>>, vector<1x1x16xf32>,
        %parallel_loop3A_395 = vector.shape_cast %parallel_loop3A_394 : vector<1x1x16xf32> to vector<16xf32>
        %parallel_loop3A_396 = arith.index_cast %rem3A_258 : i32 to index
        %parallel_loop3A_397 = arith.index_cast %parallel_loop3A_280 : i32 to index
        %parallel_loop3A_398 = arith.constant 160 : index
        %parallel_loop3A_399 = tpu.vector_load %arg8[%parallel_loop3A_396, %parallel_loop3A_397, %parallel_loop3A_398] {strides = array<i32>} : memref<8x8x1024xf32, #tpu.memory_space<vmem>>, vector<1x1x16xf32>,
        %parallel_loop3A_400 = vector.shape_cast %parallel_loop3A_399 : vector<1x1x16xf32> to vector<16xf32>
        %parallel_loop3A_401 = vector.shape_cast %parallel_loop3A_395 : vector<16xf32> to vector<1x1x16xf32>
        tpu.vector_store %arg8[%parallel_loop3A_396, %parallel_loop3A_397, %parallel_loop3A_398], %parallel_loop3A_401 {add = true, strides = array<i32>} : memref<8x8x1024xf32, #tpu.memory_space<vmem>>, vector<1x1x16xf32>,
        %parallel_loop3A_402 = arith.index_cast %rem3A_256 : i32 to index
        %parallel_loop3A_403 = arith.index_cast %parallel_loop3A_280 : i32 to index
        %parallel_loop3A_404 = arith.constant 176 : index
        %parallel_loop3A_405 = tpu.vector_load %arg7[%parallel_loop3A_402, %parallel_loop3A_403, %parallel_loop3A_404] {strides = array<i32>} : memref<5x8x1024xf32, #tpu.memory_space<vmem>>, vector<1x1x16xf32>,
        %parallel_loop3A_406 = vector.shape_cast %parallel_loop3A_405 : vector<1x1x16xf32> to vector<16xf32>
        %parallel_loop3A_407 = arith.index_cast %rem3A_258 : i32 to index
        %parallel_loop3A_408 = arith.index_cast %parallel_loop3A_280 : i32 to index
        %parallel_loop3A_409 = arith.constant 176 : index
        %parallel_loop3A_410 = tpu.vector_load %arg8[%parallel_loop3A_407, %parallel_loop3A_408, %parallel_loop3A_409] {strides = array<i32>} : memref<8x8x1024xf32, #tpu.memory_space<vmem>>, vector<1x1x16xf32>,
        %parallel_loop3A_411 = vector.shape_cast %parallel_loop3A_410 : vector<1x1x16xf32> to vector<16xf32>
        %parallel_loop3A_412 = vector.shape_cast %parallel_loop3A_406 : vector<16xf32> to vector<1x1x16xf32>
        tpu.vector_store %arg8[%parallel_loop3A_407, %parallel_loop3A_408, %parallel_loop3A_409], %parallel_loop3A_412 {add = true, strides = array<i32>} : memref<8x8x1024xf32, #tpu.memory_space<vmem>>, vector<1x1x16xf32>,
        %parallel_loop3A_413 = arith.index_cast %rem3A_256 : i32 to index
        %parallel_loop3A_414 = arith.index_cast %parallel_loop3A_280 : i32 to index
        %parallel_loop3A_415 = arith.constant 192 : index
        %parallel_loop3A_416 = tpu.vector_load %arg7[%parallel_loop3A_413, %parallel_loop3A_414, %parallel_loop3A_415] {strides = array<i32>} : memref<5x8x1024xf32, #tpu.memory_space<vmem>>, vector<1x1x16xf32>,
        %parallel_loop3A_417 = vector.shape_cast %parallel_loop3A_416 : vector<1x1x16xf32> to vector<16xf32>
        %parallel_loop3A_418 = arith.index_cast %rem3A_258 : i32 to index
        %parallel_loop3A_419 = arith.index_cast %parallel_loop3A_280 : i32 to index
        %parallel_loop3A_420 = arith.constant 192 : index
        %parallel_loop3A_421 = tpu.vector_load %arg8[%parallel_loop3A_418, %parallel_loop3A_419, %parallel_loop3A_420] {strides = array<i32>} : memref<8x8x1024xf32, #tpu.memory_space<vmem>>, vector<1x1x16xf32>,
        %parallel_loop3A_422 = vector.shape_cast %parallel_loop3A_421 : vector<1x1x16xf32> to vector<16xf32>
        %parallel_loop3A_423 = vector.shape_cast %parallel_loop3A_417 : vector<16xf32> to vector<1x1x16xf32>
        tpu.vector_store %arg8[%parallel_loop3A_418, %parallel_loop3A_419, %parallel_loop3A_420], %parallel_loop3A_423 {add = true, strides = array<i32>} : memref<8x8x1024xf32, #tpu.memory_space<vmem>>, vector<1x1x16xf32>,
        %parallel_loop3A_424 = arith.index_cast %rem3A_256 : i32 to index
        %parallel_loop3A_425 = arith.index_cast %parallel_loop3A_280 : i32 to index
        %parallel_loop3A_426 = arith.constant 208 : index
        %parallel_loop3A_427 = tpu.vector_load %arg7[%parallel_loop3A_424, %parallel_loop3A_425, %parallel_loop3A_426] {strides = array<i32>} : memref<5x8x1024xf32, #tpu.memory_space<vmem>>, vector<1x1x16xf32>,
        %parallel_loop3A_428 = vector.shape_cast %parallel_loop3A_427 : vector<1x1x16xf32> to vector<16xf32>
        %parallel_loop3A_429 = arith.index_cast %rem3A_258 : i32 to index
        %parallel_loop3A_430 = arith.index_cast %parallel_loop3A_280 : i32 to index
        %parallel_loop3A_431 = arith.constant 208 : index
        %parallel_loop3A_432 = tpu.vector_load %arg8[%parallel_loop3A_429, %parallel_loop3A_430, %parallel_loop3A_431] {strides = array<i32>} : memref<8x8x1024xf32, #tpu.memory_space<vmem>>, vector<1x1x16xf32>,
        %parallel_loop3A_433 = vector.shape_cast %parallel_loop3A_432 : vector<1x1x16xf32> to vector<16xf32>
        %parallel_loop3A_434 = vector.shape_cast %parallel_loop3A_428 : vector<16xf32> to vector<1x1x16xf32>
        tpu.vector_store %arg8[%parallel_loop3A_429, %parallel_loop3A_430, %parallel_loop3A_431], %parallel_loop3A_434 {add = true, strides = array<i32>} : memref<8x8x1024xf32, #tpu.memory_space<vmem>>, vector<1x1x16xf32>,
        %parallel_loop3A_435 = arith.index_cast %rem3A_256 : i32 to index
        %parallel_loop3A_436 = arith.index_cast %parallel_loop3A_280 : i32 to index
        %parallel_loop3A_437 = arith.constant 224 : index
        %parallel_loop3A_438 = tpu.vector_load %arg7[%parallel_loop3A_435, %parallel_loop3A_436, %parallel_loop3A_437] {strides = array<i32>} : memref<5x8x1024xf32, #tpu.memory_space<vmem>>, vector<1x1x16xf32>,
        %parallel_loop3A_439 = vector.shape_cast %parallel_loop3A_438 : vector<1x1x16xf32> to vector<16xf32>
        %parallel_loop3A_440 = arith.index_cast %rem3A_258 : i32 to index
        %parallel_loop3A_441 = arith.index_cast %parallel_loop3A_280 : i32 to index
        %parallel_loop3A_442 = arith.constant 224 : index
        %parallel_loop3A_443 = tpu.vector_load %arg8[%parallel_loop3A_440, %parallel_loop3A_441, %parallel_loop3A_442] {strides = array<i32>} : memref<8x8x1024xf32, #tpu.memory_space<vmem>>, vector<1x1x16xf32>,
        %parallel_loop3A_444 = vector.shape_cast %parallel_loop3A_443 : vector<1x1x16xf32> to vector<16xf32>
        %parallel_loop3A_445 = vector.shape_cast %parallel_loop3A_439 : vector<16xf32> to vector<1x1x16xf32>
        tpu.vector_store %arg8[%parallel_loop3A_440, %parallel_loop3A_441, %parallel_loop3A_442], %parallel_loop3A_445 {add = true, strides = array<i32>} : memref<8x8x1024xf32, #tpu.memory_space<vmem>>, vector<1x1x16xf32>,
        %parallel_loop3A_446 = arith.index_cast %rem3A_256 : i32 to index
        %parallel_loop3A_447 = arith.index_cast %parallel_loop3A_280 : i32 to index
        %parallel_loop3A_448 = arith.constant 240 : index
        %parallel_loop3A_449 = tpu.vector_load %arg7[%parallel_loop3A_446, %parallel_loop3A_447, %parallel_loop3A_448] {strides = array<i32>} : memref<5x8x1024xf32, #tpu.memory_space<vmem>>, vector<1x1x16xf32>,
        %parallel_loop3A_450 = vector.shape_cast %parallel_loop3A_449 : vector<1x1x16xf32> to vector<16xf32>
        %parallel_loop3A_451 = arith.index_cast %rem3A_258 : i32 to index
        %parallel_loop3A_452 = arith.index_cast %parallel_loop3A_280 : i32 to index
        %parallel_loop3A_453 = arith.constant 240 : index
        %parallel_loop3A_454 = tpu.vector_load %arg8[%parallel_loop3A_451, %parallel_loop3A_452, %parallel_loop3A_453] {strides = array<i32>} : memref<8x8x1024xf32, #tpu.memory_space<vmem>>, vector<1x1x16xf32>,
        %parallel_loop3A_455 = vector.shape_cast %parallel_loop3A_454 : vector<1x1x16xf32> to vector<16xf32>
        %parallel_loop3A_456 = vector.shape_cast %parallel_loop3A_450 : vector<16xf32> to vector<1x1x16xf32>
        tpu.vector_store %arg8[%parallel_loop3A_451, %parallel_loop3A_452, %parallel_loop3A_453], %parallel_loop3A_456 {add = true, strides = array<i32>} : memref<8x8x1024xf32, #tpu.memory_space<vmem>>, vector<1x1x16xf32>,
        %parallel_loop3A_457 = arith.index_cast %rem3A_256 : i32 to index
        %parallel_loop3A_458 = arith.index_cast %parallel_loop3A_280 : i32 to index
        %parallel_loop3A_459 = arith.constant 256 : index
        %parallel_loop3A_460 = tpu.vector_load %arg7[%parallel_loop3A_457, %parallel_loop3A_458, %parallel_loop3A_459] {strides = array<i32>} : memref<5x8x1024xf32, #tpu.memory_space<vmem>>, vector<1x1x16xf32>,
        %parallel_loop3A_461 = vector.shape_cast %parallel_loop3A_460 : vector<1x1x16xf32> to vector<16xf32>
        %parallel_loop3A_462 = arith.index_cast %rem3A_258 : i32 to index
        %parallel_loop3A_463 = arith.index_cast %parallel_loop3A_280 : i32 to index
        %parallel_loop3A_464 = arith.constant 256 : index
        %parallel_loop3A_465 = tpu.vector_load %arg8[%parallel_loop3A_462, %parallel_loop3A_463, %parallel_loop3A_464] {strides = array<i32>} : memref<8x8x1024xf32, #tpu.memory_space<vmem>>, vector<1x1x16xf32>,
        %parallel_loop3A_466 = vector.shape_cast %parallel_loop3A_465 : vector<1x1x16xf32> to vector<16xf32>
        %parallel_loop3A_467 = vector.shape_cast %parallel_loop3A_461 : vector<16xf32> to vector<1x1x16xf32>
        tpu.vector_store %arg8[%parallel_loop3A_462, %parallel_loop3A_463, %parallel_loop3A_464], %parallel_loop3A_467 {add = true, strides = array<i32>} : memref<8x8x1024xf32, #tpu.memory_space<vmem>>, vector<1x1x16xf32>,
        %parallel_loop3A_468 = arith.index_cast %rem3A_256 : i32 to index
        %parallel_loop3A_469 = arith.index_cast %parallel_loop3A_280 : i32 to index
        %parallel_loop3A_470 = arith.constant 272 : index
        %parallel_loop3A_471 = tpu.vector_load %arg7[%parallel_loop3A_468, %parallel_loop3A_469, %parallel_loop3A_470] {strides = array<i32>} : memref<5x8x1024xf32, #tpu.memory_space<vmem>>, vector<1x1x16xf32>,
        %parallel_loop3A_472 = vector.shape_cast %parallel_loop3A_471 : vector<1x1x16xf32> to vector<16xf32>
        %parallel_loop3A_473 = arith.index_cast %rem3A_258 : i32 to index
        %parallel_loop3A_474 = arith.index_cast %parallel_loop3A_280 : i32 to index
        %parallel_loop3A_475 = arith.constant 272 : index
        %parallel_loop3A_476 = tpu.vector_load %arg8[%parallel_loop3A_473, %parallel_loop3A_474, %parallel_loop3A_475] {strides = array<i32>} : memref<8x8x1024xf32, #tpu.memory_space<vmem>>, vector<1x1x16xf32>,
        %parallel_loop3A_477 = vector.shape_cast %parallel_loop3A_476 : vector<1x1x16xf32> to vector<16xf32>
        %parallel_loop3A_478 = vector.shape_cast %parallel_loop3A_472 : vector<16xf32> to vector<1x1x16xf32>
        tpu.vector_store %arg8[%parallel_loop3A_473, %parallel_loop3A_474, %parallel_loop3A_475], %parallel_loop3A_478 {add = true, strides = array<i32>} : memref<8x8x1024xf32, #tpu.memory_space<vmem>>, vector<1x1x16xf32>,
        %parallel_loop3A_479 = arith.index_cast %rem3A_256 : i32 to index
        %parallel_loop3A_480 = arith.index_cast %parallel_loop3A_280 : i32 to index
        %parallel_loop3A_481 = arith.constant 288 : index
        %parallel_loop3A_482 = tpu.vector_load %arg7[%parallel_loop3A_479, %parallel_loop3A_480, %parallel_loop3A_481] {strides = array<i32>} : memref<5x8x1024xf32, #tpu.memory_space<vmem>>, vector<1x1x16xf32>,
        %parallel_loop3A_483 = vector.shape_cast %parallel_loop3A_482 : vector<1x1x16xf32> to vector<16xf32>
        %parallel_loop3A_484 = arith.index_cast %rem3A_258 : i32 to index
        %parallel_loop3A_485 = arith.index_cast %parallel_loop3A_280 : i32 to index
        %parallel_loop3A_486 = arith.constant 288 : index
        %parallel_loop3A_487 = tpu.vector_load %arg8[%parallel_loop3A_484, %parallel_loop3A_485, %parallel_loop3A_486] {strides = array<i32>} : memref<8x8x1024xf32, #tpu.memory_space<vmem>>, vector<1x1x16xf32>,
        %parallel_loop3A_488 = vector.shape_cast %parallel_loop3A_487 : vector<1x1x16xf32> to vector<16xf32>
        %parallel_loop3A_489 = vector.shape_cast %parallel_loop3A_483 : vector<16xf32> to vector<1x1x16xf32>
        tpu.vector_store %arg8[%parallel_loop3A_484, %parallel_loop3A_485, %parallel_loop3A_486], %parallel_loop3A_489 {add = true, strides = array<i32>} : memref<8x8x1024xf32, #tpu.memory_space<vmem>>, vector<1x1x16xf32>,
        %parallel_loop3A_490 = arith.index_cast %rem3A_256 : i32 to index
        %parallel_loop3A_491 = arith.index_cast %parallel_loop3A_280 : i32 to index
        %parallel_loop3A_492 = arith.constant 304 : index
        %parallel_loop3A_493 = tpu.vector_load %arg7[%parallel_loop3A_490, %parallel_loop3A_491, %parallel_loop3A_492] {strides = array<i32>} : memref<5x8x1024xf32, #tpu.memory_space<vmem>>, vector<1x1x16xf32>,
        %parallel_loop3A_494 = vector.shape_cast %parallel_loop3A_493 : vector<1x1x16xf32> to vector<16xf32>
        %parallel_loop3A_495 = arith.index_cast %rem3A_258 : i32 to index
        %parallel_loop3A_496 = arith.index_cast %parallel_loop3A_280 : i32 to index
        %parallel_loop3A_497 = arith.constant 304 : index
        %parallel_loop3A_498 = tpu.vector_load %arg8[%parallel_loop3A_495, %parallel_loop3A_496, %parallel_loop3A_497] {strides = array<i32>} : memref<8x8x1024xf32, #tpu.memory_space<vmem>>, vector<1x1x16xf32>,
        %parallel_loop3A_499 = vector.shape_cast %parallel_loop3A_498 : vector<1x1x16xf32> to vector<16xf32>
        %parallel_loop3A_500 = vector.shape_cast %parallel_loop3A_494 : vector<16xf32> to vector<1x1x16xf32>
        tpu.vector_store %arg8[%parallel_loop3A_495, %parallel_loop3A_496, %parallel_loop3A_497], %parallel_loop3A_500 {add = true, strides = array<i32>} : memref<8x8x1024xf32, #tpu.memory_space<vmem>>, vector<1x1x16xf32>,
        %parallel_loop3A_501 = arith.index_cast %rem3A_256 : i32 to index
        %parallel_loop3A_502 = arith.index_cast %parallel_loop3A_280 : i32 to index
        %parallel_loop3A_503 = arith.constant 320 : index
        %parallel_loop3A_504 = tpu.vector_load %arg7[%parallel_loop3A_501, %parallel_loop3A_502, %parallel_loop3A_503] {strides = array<i32>} : memref<5x8x1024xf32, #tpu.memory_space<vmem>>, vector<1x1x16xf32>,
        %parallel_loop3A_505 = vector.shape_cast %parallel_loop3A_504 : vector<1x1x16xf32> to vector<16xf32>
        %parallel_loop3A_506 = arith.index_cast %rem3A_258 : i32 to index
        %parallel_loop3A_507 = arith.index_cast %parallel_loop3A_280 : i32 to index
        %parallel_loop3A_508 = arith.constant 320 : index
        %parallel_loop3A_509 = tpu.vector_load %arg8[%parallel_loop3A_506, %parallel_loop3A_507, %parallel_loop3A_508] {strides = array<i32>} : memref<8x8x1024xf32, #tpu.memory_space<vmem>>, vector<1x1x16xf32>,
        %parallel_loop3A_510 = vector.shape_cast %parallel_loop3A_509 : vector<1x1x16xf32> to vector<16xf32>
        %parallel_loop3A_511 = vector.shape_cast %parallel_loop3A_505 : vector<16xf32> to vector<1x1x16xf32>
        tpu.vector_store %arg8[%parallel_loop3A_506, %parallel_loop3A_507, %parallel_loop3A_508], %parallel_loop3A_511 {add = true, strides = array<i32>} : memref<8x8x1024xf32, #tpu.memory_space<vmem>>, vector<1x1x16xf32>,
        %parallel_loop3A_512 = arith.index_cast %rem3A_256 : i32 to index
        %parallel_loop3A_513 = arith.index_cast %parallel_loop3A_280 : i32 to index
        %parallel_loop3A_514 = arith.constant 336 : index
        %parallel_loop3A_515 = tpu.vector_load %arg7[%parallel_loop3A_512, %parallel_loop3A_513, %parallel_loop3A_514] {strides = array<i32>} : memref<5x8x1024xf32, #tpu.memory_space<vmem>>, vector<1x1x16xf32>,
        %parallel_loop3A_516 = vector.shape_cast %parallel_loop3A_515 : vector<1x1x16xf32> to vector<16xf32>
        %parallel_loop3A_517 = arith.index_cast %rem3A_258 : i32 to index
        %parallel_loop3A_518 = arith.index_cast %parallel_loop3A_280 : i32 to index
        %parallel_loop3A_519 = arith.constant 336 : index
        %parallel_loop3A_520 = tpu.vector_load %arg8[%parallel_loop3A_517, %parallel_loop3A_518, %parallel_loop3A_519] {strides = array<i32>} : memref<8x8x1024xf32, #tpu.memory_space<vmem>>, vector<1x1x16xf32>,
        %parallel_loop3A_521 = vector.shape_cast %parallel_loop3A_520 : vector<1x1x16xf32> to vector<16xf32>
        %parallel_loop3A_522 = vector.shape_cast %parallel_loop3A_516 : vector<16xf32> to vector<1x1x16xf32>
        tpu.vector_store %arg8[%parallel_loop3A_517, %parallel_loop3A_518, %parallel_loop3A_519], %parallel_loop3A_522 {add = true, strides = array<i32>} : memref<8x8x1024xf32, #tpu.memory_space<vmem>>, vector<1x1x16xf32>,
        %parallel_loop3A_523 = arith.index_cast %rem3A_256 : i32 to index
        %parallel_loop3A_524 = arith.index_cast %parallel_loop3A_280 : i32 to index
        %parallel_loop3A_525 = arith.constant 352 : index
        %parallel_loop3A_526 = tpu.vector_load %arg7[%parallel_loop3A_523, %parallel_loop3A_524, %parallel_loop3A_525] {strides = array<i32>} : memref<5x8x1024xf32, #tpu.memory_space<vmem>>, vector<1x1x16xf32>,
        %parallel_loop3A_527 = vector.shape_cast %parallel_loop3A_526 : vector<1x1x16xf32> to vector<16xf32>
        %parallel_loop3A_528 = arith.index_cast %rem3A_258 : i32 to index
        %parallel_loop3A_529 = arith.index_cast %parallel_loop3A_280 : i32 to index
        %parallel_loop3A_530 = arith.constant 352 : index
        %parallel_loop3A_531 = tpu.vector_load %arg8[%parallel_loop3A_528, %parallel_loop3A_529, %parallel_loop3A_530] {strides = array<i32>} : memref<8x8x1024xf32, #tpu.memory_space<vmem>>, vector<1x1x16xf32>,
        %parallel_loop3A_532 = vector.shape_cast %parallel_loop3A_531 : vector<1x1x16xf32> to vector<16xf32>
        %parallel_loop3A_533 = vector.shape_cast %parallel_loop3A_527 : vector<16xf32> to vector<1x1x16xf32>
        tpu.vector_store %arg8[%parallel_loop3A_528, %parallel_loop3A_529, %parallel_loop3A_530], %parallel_loop3A_533 {add = true, strides = array<i32>} : memref<8x8x1024xf32, #tpu.memory_space<vmem>>, vector<1x1x16xf32>,
        %parallel_loop3A_534 = arith.index_cast %rem3A_256 : i32 to index
        %parallel_loop3A_535 = arith.index_cast %parallel_loop3A_280 : i32 to index
        %parallel_loop3A_536 = arith.constant 368 : index
        %parallel_loop3A_537 = tpu.vector_load %arg7[%parallel_loop3A_534, %parallel_loop3A_535, %parallel_loop3A_536] {strides = array<i32>} : memref<5x8x1024xf32, #tpu.memory_space<vmem>>, vector<1x1x16xf32>,
        %parallel_loop3A_538 = vector.shape_cast %parallel_loop3A_537 : vector<1x1x16xf32> to vector<16xf32>
        %parallel_loop3A_539 = arith.index_cast %rem3A_258 : i32 to index
        %parallel_loop3A_540 = arith.index_cast %parallel_loop3A_280 : i32 to index
        %parallel_loop3A_541 = arith.constant 368 : index
        %parallel_loop3A_542 = tpu.vector_load %arg8[%parallel_loop3A_539, %parallel_loop3A_540, %parallel_loop3A_541] {strides = array<i32>} : memref<8x8x1024xf32, #tpu.memory_space<vmem>>, vector<1x1x16xf32>,
        %parallel_loop3A_543 = vector.shape_cast %parallel_loop3A_542 : vector<1x1x16xf32> to vector<16xf32>
        %parallel_loop3A_544 = vector.shape_cast %parallel_loop3A_538 : vector<16xf32> to vector<1x1x16xf32>
        tpu.vector_store %arg8[%parallel_loop3A_539, %parallel_loop3A_540, %parallel_loop3A_541], %parallel_loop3A_544 {add = true, strides = array<i32>} : memref<8x8x1024xf32, #tpu.memory_space<vmem>>, vector<1x1x16xf32>,
        %parallel_loop3A_545 = arith.index_cast %rem3A_256 : i32 to index
        %parallel_loop3A_546 = arith.index_cast %parallel_loop3A_280 : i32 to index
        %parallel_loop3A_547 = arith.constant 384 : index
        %parallel_loop3A_548 = tpu.vector_load %arg7[%parallel_loop3A_545, %parallel_loop3A_546, %parallel_loop3A_547] {strides = array<i32>} : memref<5x8x1024xf32, #tpu.memory_space<vmem>>, vector<1x1x16xf32>,
        %parallel_loop3A_549 = vector.shape_cast %parallel_loop3A_548 : vector<1x1x16xf32> to vector<16xf32>
        %parallel_loop3A_550 = arith.index_cast %rem3A_258 : i32 to index
        %parallel_loop3A_551 = arith.index_cast %parallel_loop3A_280 : i32 to index
        %parallel_loop3A_552 = arith.constant 384 : index
        %parallel_loop3A_553 = tpu.vector_load %arg8[%parallel_loop3A_550, %parallel_loop3A_551, %parallel_loop3A_552] {strides = array<i32>} : memref<8x8x1024xf32, #tpu.memory_space<vmem>>, vector<1x1x16xf32>,
        %parallel_loop3A_554 = vector.shape_cast %parallel_loop3A_553 : vector<1x1x16xf32> to vector<16xf32>
        %parallel_loop3A_555 = vector.shape_cast %parallel_loop3A_549 : vector<16xf32> to vector<1x1x16xf32>
        tpu.vector_store %arg8[%parallel_loop3A_550, %parallel_loop3A_551, %parallel_loop3A_552], %parallel_loop3A_555 {add = true, strides = array<i32>} : memref<8x8x1024xf32, #tpu.memory_space<vmem>>, vector<1x1x16xf32>,
        %parallel_loop3A_556 = arith.index_cast %rem3A_256 : i32 to index
        %parallel_loop3A_557 = arith.index_cast %parallel_loop3A_280 : i32 to index
        %parallel_loop3A_558 = arith.constant 400 : index
        %parallel_loop3A_559 = tpu.vector_load %arg7[%parallel_loop3A_556, %parallel_loop3A_557, %parallel_loop3A_558] {strides = array<i32>} : memref<5x8x1024xf32, #tpu.memory_space<vmem>>, vector<1x1x16xf32>,
        %parallel_loop3A_560 = vector.shape_cast %parallel_loop3A_559 : vector<1x1x16xf32> to vector<16xf32>
        %parallel_loop3A_561 = arith.index_cast %rem3A_258 : i32 to index
        %parallel_loop3A_562 = arith.index_cast %parallel_loop3A_280 : i32 to index
        %parallel_loop3A_563 = arith.constant 400 : index
        %parallel_loop3A_564 = tpu.vector_load %arg8[%parallel_loop3A_561, %parallel_loop3A_562, %parallel_loop3A_563] {strides = array<i32>} : memref<8x8x1024xf32, #tpu.memory_space<vmem>>, vector<1x1x16xf32>,
        %parallel_loop3A_565 = vector.shape_cast %parallel_loop3A_564 : vector<1x1x16xf32> to vector<16xf32>
        %parallel_loop3A_566 = vector.shape_cast %parallel_loop3A_560 : vector<16xf32> to vector<1x1x16xf32>
        tpu.vector_store %arg8[%parallel_loop3A_561, %parallel_loop3A_562, %parallel_loop3A_563], %parallel_loop3A_566 {add = true, strides = array<i32>} : memref<8x8x1024xf32, #tpu.memory_space<vmem>>, vector<1x1x16xf32>,
        %parallel_loop3A_567 = arith.index_cast %rem3A_256 : i32 to index
        %parallel_loop3A_568 = arith.index_cast %parallel_loop3A_280 : i32 to index
        %parallel_loop3A_569 = arith.constant 416 : index
        %parallel_loop3A_570 = tpu.vector_load %arg7[%parallel_loop3A_567, %parallel_loop3A_568, %parallel_loop3A_569] {strides = array<i32>} : memref<5x8x1024xf32, #tpu.memory_space<vmem>>, vector<1x1x16xf32>,
        %parallel_loop3A_571 = vector.shape_cast %parallel_loop3A_570 : vector<1x1x16xf32> to vector<16xf32>
        %parallel_loop3A_572 = arith.index_cast %rem3A_258 : i32 to index
        %parallel_loop3A_573 = arith.index_cast %parallel_loop3A_280 : i32 to index
        %parallel_loop3A_574 = arith.constant 416 : index
        %parallel_loop3A_575 = tpu.vector_load %arg8[%parallel_loop3A_572, %parallel_loop3A_573, %parallel_loop3A_574] {strides = array<i32>} : memref<8x8x1024xf32, #tpu.memory_space<vmem>>, vector<1x1x16xf32>,
        %parallel_loop3A_576 = vector.shape_cast %parallel_loop3A_575 : vector<1x1x16xf32> to vector<16xf32>
        %parallel_loop3A_577 = vector.shape_cast %parallel_loop3A_571 : vector<16xf32> to vector<1x1x16xf32>
        tpu.vector_store %arg8[%parallel_loop3A_572, %parallel_loop3A_573, %parallel_loop3A_574], %parallel_loop3A_577 {add = true, strides = array<i32>} : memref<8x8x1024xf32, #tpu.memory_space<vmem>>, vector<1x1x16xf32>,
        %parallel_loop3A_578 = arith.index_cast %rem3A_256 : i32 to index
        %parallel_loop3A_579 = arith.index_cast %parallel_loop3A_280 : i32 to index
        %parallel_loop3A_580 = arith.constant 432 : index
        %parallel_loop3A_581 = tpu.vector_load %arg7[%parallel_loop3A_578, %parallel_loop3A_579, %parallel_loop3A_580] {strides = array<i32>} : memref<5x8x1024xf32, #tpu.memory_space<vmem>>, vector<1x1x16xf32>,
        %parallel_loop3A_582 = vector.shape_cast %parallel_loop3A_581 : vector<1x1x16xf32> to vector<16xf32>
        %parallel_loop3A_583 = arith.index_cast %rem3A_258 : i32 to index
        %parallel_loop3A_584 = arith.index_cast %parallel_loop3A_280 : i32 to index
        %parallel_loop3A_585 = arith.constant 432 : index
        %parallel_loop3A_586 = tpu.vector_load %arg8[%parallel_loop3A_583, %parallel_loop3A_584, %parallel_loop3A_585] {strides = array<i32>} : memref<8x8x1024xf32, #tpu.memory_space<vmem>>, vector<1x1x16xf32>,
        %parallel_loop3A_587 = vector.shape_cast %parallel_loop3A_586 : vector<1x1x16xf32> to vector<16xf32>
        %parallel_loop3A_588 = vector.shape_cast %parallel_loop3A_582 : vector<16xf32> to vector<1x1x16xf32>
        tpu.vector_store %arg8[%parallel_loop3A_583, %parallel_loop3A_584, %parallel_loop3A_585], %parallel_loop3A_588 {add = true, strides = array<i32>} : memref<8x8x1024xf32, #tpu.memory_space<vmem>>, vector<1x1x16xf32>,
        %parallel_loop3A_589 = arith.index_cast %rem3A_256 : i32 to index
        %parallel_loop3A_590 = arith.index_cast %parallel_loop3A_280 : i32 to index
        %parallel_loop3A_591 = arith.constant 448 : index
        %parallel_loop3A_592 = tpu.vector_load %arg7[%parallel_loop3A_589, %parallel_loop3A_590, %parallel_loop3A_591] {strides = array<i32>} : memref<5x8x1024xf32, #tpu.memory_space<vmem>>, vector<1x1x16xf32>,
        %parallel_loop3A_593 = vector.shape_cast %parallel_loop3A_592 : vector<1x1x16xf32> to vector<16xf32>
        %parallel_loop3A_594 = arith.index_cast %rem3A_258 : i32 to index
        %parallel_loop3A_595 = arith.index_cast %parallel_loop3A_280 : i32 to index
        %parallel_loop3A_596 = arith.constant 448 : index
        %parallel_loop3A_597 = tpu.vector_load %arg8[%parallel_loop3A_594, %parallel_loop3A_595, %parallel_loop3A_596] {strides = array<i32>} : memref<8x8x1024xf32, #tpu.memory_space<vmem>>, vector<1x1x16xf32>,
        %parallel_loop3A_598 = vector.shape_cast %parallel_loop3A_597 : vector<1x1x16xf32> to vector<16xf32>
        %parallel_loop3A_599 = vector.shape_cast %parallel_loop3A_593 : vector<16xf32> to vector<1x1x16xf32>
        tpu.vector_store %arg8[%parallel_loop3A_594, %parallel_loop3A_595, %parallel_loop3A_596], %parallel_loop3A_599 {add = true, strides = array<i32>} : memref<8x8x1024xf32, #tpu.memory_space<vmem>>, vector<1x1x16xf32>,
        %parallel_loop3A_600 = arith.index_cast %rem3A_256 : i32 to index
        %parallel_loop3A_601 = arith.index_cast %parallel_loop3A_280 : i32 to index
        %parallel_loop3A_602 = arith.constant 464 : index
        %parallel_loop3A_603 = tpu.vector_load %arg7[%parallel_loop3A_600, %parallel_loop3A_601, %parallel_loop3A_602] {strides = array<i32>} : memref<5x8x1024xf32, #tpu.memory_space<vmem>>, vector<1x1x16xf32>,
        %parallel_loop3A_604 = vector.shape_cast %parallel_loop3A_603 : vector<1x1x16xf32> to vector<16xf32>
        %parallel_loop3A_605 = arith.index_cast %rem3A_258 : i32 to index
        %parallel_loop3A_606 = arith.index_cast %parallel_loop3A_280 : i32 to index
        %parallel_loop3A_607 = arith.constant 464 : index
        %parallel_loop3A_608 = tpu.vector_load %arg8[%parallel_loop3A_605, %parallel_loop3A_606, %parallel_loop3A_607] {strides = array<i32>} : memref<8x8x1024xf32, #tpu.memory_space<vmem>>, vector<1x1x16xf32>,
        %parallel_loop3A_609 = vector.shape_cast %parallel_loop3A_608 : vector<1x1x16xf32> to vector<16xf32>
        %parallel_loop3A_610 = vector.shape_cast %parallel_loop3A_604 : vector<16xf32> to vector<1x1x16xf32>
        tpu.vector_store %arg8[%parallel_loop3A_605, %parallel_loop3A_606, %parallel_loop3A_607], %parallel_loop3A_610 {add = true, strides = array<i32>} : memref<8x8x1024xf32, #tpu.memory_space<vmem>>, vector<1x1x16xf32>,
        %parallel_loop3A_611 = arith.index_cast %rem3A_256 : i32 to index
        %parallel_loop3A_612 = arith.index_cast %parallel_loop3A_280 : i32 to index
        %parallel_loop3A_613 = arith.constant 480 : index
        %parallel_loop3A_614 = tpu.vector_load %arg7[%parallel_loop3A_611, %parallel_loop3A_612, %parallel_loop3A_613] {strides = array<i32>} : memref<5x8x1024xf32, #tpu.memory_space<vmem>>, vector<1x1x16xf32>,
        %parallel_loop3A_615 = vector.shape_cast %parallel_loop3A_614 : vector<1x1x16xf32> to vector<16xf32>
        %parallel_loop3A_616 = arith.index_cast %rem3A_258 : i32 to index
        %parallel_loop3A_617 = arith.index_cast %parallel_loop3A_280 : i32 to index
        %parallel_loop3A_618 = arith.constant 480 : index
        %parallel_loop3A_619 = tpu.vector_load %arg8[%parallel_loop3A_616, %parallel_loop3A_617, %parallel_loop3A_618] {strides = array<i32>} : memref<8x8x1024xf32, #tpu.memory_space<vmem>>, vector<1x1x16xf32>,
        %parallel_loop3A_620 = vector.shape_cast %parallel_loop3A_619 : vector<1x1x16xf32> to vector<16xf32>
        %parallel_loop3A_621 = vector.shape_cast %parallel_loop3A_615 : vector<16xf32> to vector<1x1x16xf32>
        tpu.vector_store %arg8[%parallel_loop3A_616, %parallel_loop3A_617, %parallel_loop3A_618], %parallel_loop3A_621 {add = true, strides = array<i32>} : memref<8x8x1024xf32, #tpu.memory_space<vmem>>, vector<1x1x16xf32>,
        %parallel_loop3A_622 = arith.index_cast %rem3A_256 : i32 to index
        %parallel_loop3A_623 = arith.index_cast %parallel_loop3A_280 : i32 to index
        %parallel_loop3A_624 = arith.constant 496 : index
        %parallel_loop3A_625 = tpu.vector_load %arg7[%parallel_loop3A_622, %parallel_loop3A_623, %parallel_loop3A_624] {strides = array<i32>} : memref<5x8x1024xf32, #tpu.memory_space<vmem>>, vector<1x1x16xf32>,
        %parallel_loop3A_626 = vector.shape_cast %parallel_loop3A_625 : vector<1x1x16xf32> to vector<16xf32>
        %parallel_loop3A_627 = arith.index_cast %rem3A_258 : i32 to index
        %parallel_loop3A_628 = arith.index_cast %parallel_loop3A_280 : i32 to index
        %parallel_loop3A_629 = arith.constant 496 : index
        %parallel_loop3A_630 = tpu.vector_load %arg8[%parallel_loop3A_627, %parallel_loop3A_628, %parallel_loop3A_629] {strides = array<i32>} : memref<8x8x1024xf32, #tpu.memory_space<vmem>>, vector<1x1x16xf32>,
        %parallel_loop3A_631 = vector.shape_cast %parallel_loop3A_630 : vector<1x1x16xf32> to vector<16xf32>
        %parallel_loop3A_632 = vector.shape_cast %parallel_loop3A_626 : vector<16xf32> to vector<1x1x16xf32>
        tpu.vector_store %arg8[%parallel_loop3A_627, %parallel_loop3A_628, %parallel_loop3A_629], %parallel_loop3A_632 {add = true, strides = array<i32>} : memref<8x8x1024xf32, #tpu.memory_space<vmem>>, vector<1x1x16xf32>,
        %parallel_loop3A_633 = arith.index_cast %rem3A_256 : i32 to index
        %parallel_loop3A_634 = arith.index_cast %parallel_loop3A_280 : i32 to index
        %parallel_loop3A_635 = arith.constant 512 : index
        %parallel_loop3A_636 = tpu.vector_load %arg7[%parallel_loop3A_633, %parallel_loop3A_634, %parallel_loop3A_635] {strides = array<i32>} : memref<5x8x1024xf32, #tpu.memory_space<vmem>>, vector<1x1x16xf32>,
        %parallel_loop3A_637 = vector.shape_cast %parallel_loop3A_636 : vector<1x1x16xf32> to vector<16xf32>
        %parallel_loop3A_638 = arith.index_cast %rem3A_258 : i32 to index
        %parallel_loop3A_639 = arith.index_cast %parallel_loop3A_280 : i32 to index
        %parallel_loop3A_640 = arith.constant 512 : index
        %parallel_loop3A_641 = tpu.vector_load %arg8[%parallel_loop3A_638, %parallel_loop3A_639, %parallel_loop3A_640] {strides = array<i32>} : memref<8x8x1024xf32, #tpu.memory_space<vmem>>, vector<1x1x16xf32>,
        %parallel_loop3A_642 = vector.shape_cast %parallel_loop3A_641 : vector<1x1x16xf32> to vector<16xf32>
        %parallel_loop3A_643 = vector.shape_cast %parallel_loop3A_637 : vector<16xf32> to vector<1x1x16xf32>
        tpu.vector_store %arg8[%parallel_loop3A_638, %parallel_loop3A_639, %parallel_loop3A_640], %parallel_loop3A_643 {add = true, strides = array<i32>} : memref<8x8x1024xf32, #tpu.memory_space<vmem>>, vector<1x1x16xf32>,
        %parallel_loop3A_644 = arith.index_cast %rem3A_256 : i32 to index
        %parallel_loop3A_645 = arith.index_cast %parallel_loop3A_280 : i32 to index
        %parallel_loop3A_646 = arith.constant 528 : index
        %parallel_loop3A_647 = tpu.vector_load %arg7[%parallel_loop3A_644, %parallel_loop3A_645, %parallel_loop3A_646] {strides = array<i32>} : memref<5x8x1024xf32, #tpu.memory_space<vmem>>, vector<1x1x16xf32>,
        %parallel_loop3A_648 = vector.shape_cast %parallel_loop3A_647 : vector<1x1x16xf32> to vector<16xf32>
        %parallel_loop3A_649 = arith.index_cast %rem3A_258 : i32 to index
        %parallel_loop3A_650 = arith.index_cast %parallel_loop3A_280 : i32 to index
        %parallel_loop3A_651 = arith.constant 528 : index
        %parallel_loop3A_652 = tpu.vector_load %arg8[%parallel_loop3A_649, %parallel_loop3A_650, %parallel_loop3A_651] {strides = array<i32>} : memref<8x8x1024xf32, #tpu.memory_space<vmem>>, vector<1x1x16xf32>,
        %parallel_loop3A_653 = vector.shape_cast %parallel_loop3A_652 : vector<1x1x16xf32> to vector<16xf32>
        %parallel_loop3A_654 = vector.shape_cast %parallel_loop3A_648 : vector<16xf32> to vector<1x1x16xf32>
        tpu.vector_store %arg8[%parallel_loop3A_649, %parallel_loop3A_650, %parallel_loop3A_651], %parallel_loop3A_654 {add = true, strides = array<i32>} : memref<8x8x1024xf32, #tpu.memory_space<vmem>>, vector<1x1x16xf32>,
        %parallel_loop3A_655 = arith.index_cast %rem3A_256 : i32 to index
        %parallel_loop3A_656 = arith.index_cast %parallel_loop3A_280 : i32 to index
        %parallel_loop3A_657 = arith.constant 544 : index
        %parallel_loop3A_658 = tpu.vector_load %arg7[%parallel_loop3A_655, %parallel_loop3A_656, %parallel_loop3A_657] {strides = array<i32>} : memref<5x8x1024xf32, #tpu.memory_space<vmem>>, vector<1x1x16xf32>,
        %parallel_loop3A_659 = vector.shape_cast %parallel_loop3A_658 : vector<1x1x16xf32> to vector<16xf32>
        %parallel_loop3A_660 = arith.index_cast %rem3A_258 : i32 to index
        %parallel_loop3A_661 = arith.index_cast %parallel_loop3A_280 : i32 to index
        %parallel_loop3A_662 = arith.constant 544 : index
        %parallel_loop3A_663 = tpu.vector_load %arg8[%parallel_loop3A_660, %parallel_loop3A_661, %parallel_loop3A_662] {strides = array<i32>} : memref<8x8x1024xf32, #tpu.memory_space<vmem>>, vector<1x1x16xf32>,
        %parallel_loop3A_664 = vector.shape_cast %parallel_loop3A_663 : vector<1x1x16xf32> to vector<16xf32>
        %parallel_loop3A_665 = vector.shape_cast %parallel_loop3A_659 : vector<16xf32> to vector<1x1x16xf32>
        tpu.vector_store %arg8[%parallel_loop3A_660, %parallel_loop3A_661, %parallel_loop3A_662], %parallel_loop3A_665 {add = true, strides = array<i32>} : memref<8x8x1024xf32, #tpu.memory_space<vmem>>, vector<1x1x16xf32>,
        %parallel_loop3A_666 = arith.index_cast %rem3A_256 : i32 to index
        %parallel_loop3A_667 = arith.index_cast %parallel_loop3A_280 : i32 to index
        %parallel_loop3A_668 = arith.constant 560 : index
        %parallel_loop3A_669 = tpu.vector_load %arg7[%parallel_loop3A_666, %parallel_loop3A_667, %parallel_loop3A_668] {strides = array<i32>} : memref<5x8x1024xf32, #tpu.memory_space<vmem>>, vector<1x1x16xf32>,
        %parallel_loop3A_670 = vector.shape_cast %parallel_loop3A_669 : vector<1x1x16xf32> to vector<16xf32>
        %parallel_loop3A_671 = arith.index_cast %rem3A_258 : i32 to index
        %parallel_loop3A_672 = arith.index_cast %parallel_loop3A_280 : i32 to index
        %parallel_loop3A_673 = arith.constant 560 : index
        %parallel_loop3A_674 = tpu.vector_load %arg8[%parallel_loop3A_671, %parallel_loop3A_672, %parallel_loop3A_673] {strides = array<i32>} : memref<8x8x1024xf32, #tpu.memory_space<vmem>>, vector<1x1x16xf32>,
        %parallel_loop3A_675 = vector.shape_cast %parallel_loop3A_674 : vector<1x1x16xf32> to vector<16xf32>
        %parallel_loop3A_676 = vector.shape_cast %parallel_loop3A_670 : vector<16xf32> to vector<1x1x16xf32>
        tpu.vector_store %arg8[%parallel_loop3A_671, %parallel_loop3A_672, %parallel_loop3A_673], %parallel_loop3A_676 {add = true, strides = array<i32>} : memref<8x8x1024xf32, #tpu.memory_space<vmem>>, vector<1x1x16xf32>,
        %parallel_loop3A_677 = arith.index_cast %rem3A_256 : i32 to index
        %parallel_loop3A_678 = arith.index_cast %parallel_loop3A_280 : i32 to index
        %parallel_loop3A_679 = arith.constant 576 : index
        %parallel_loop3A_680 = tpu.vector_load %arg7[%parallel_loop3A_677, %parallel_loop3A_678, %parallel_loop3A_679] {strides = array<i32>} : memref<5x8x1024xf32, #tpu.memory_space<vmem>>, vector<1x1x16xf32>,
        %parallel_loop3A_681 = vector.shape_cast %parallel_loop3A_680 : vector<1x1x16xf32> to vector<16xf32>
        %parallel_loop3A_682 = arith.index_cast %rem3A_258 : i32 to index
        %parallel_loop3A_683 = arith.index_cast %parallel_loop3A_280 : i32 to index
        %parallel_loop3A_684 = arith.constant 576 : index
        %parallel_loop3A_685 = tpu.vector_load %arg8[%parallel_loop3A_682, %parallel_loop3A_683, %parallel_loop3A_684] {strides = array<i32>} : memref<8x8x1024xf32, #tpu.memory_space<vmem>>, vector<1x1x16xf32>,
        %parallel_loop3A_686 = vector.shape_cast %parallel_loop3A_685 : vector<1x1x16xf32> to vector<16xf32>
        %parallel_loop3A_687 = vector.shape_cast %parallel_loop3A_681 : vector<16xf32> to vector<1x1x16xf32>
        tpu.vector_store %arg8[%parallel_loop3A_682, %parallel_loop3A_683, %parallel_loop3A_684], %parallel_loop3A_687 {add = true, strides = array<i32>} : memref<8x8x1024xf32, #tpu.memory_space<vmem>>, vector<1x1x16xf32>,
        %parallel_loop3A_688 = arith.index_cast %rem3A_256 : i32 to index
        %parallel_loop3A_689 = arith.index_cast %parallel_loop3A_280 : i32 to index
        %parallel_loop3A_690 = arith.constant 592 : index
        %parallel_loop3A_691 = tpu.vector_load %arg7[%parallel_loop3A_688, %parallel_loop3A_689, %parallel_loop3A_690] {strides = array<i32>} : memref<5x8x1024xf32, #tpu.memory_space<vmem>>, vector<1x1x16xf32>,
        %parallel_loop3A_692 = vector.shape_cast %parallel_loop3A_691 : vector<1x1x16xf32> to vector<16xf32>
        %parallel_loop3A_693 = arith.index_cast %rem3A_258 : i32 to index
        %parallel_loop3A_694 = arith.index_cast %parallel_loop3A_280 : i32 to index
        %parallel_loop3A_695 = arith.constant 592 : index
        %parallel_loop3A_696 = tpu.vector_load %arg8[%parallel_loop3A_693, %parallel_loop3A_694, %parallel_loop3A_695] {strides = array<i32>} : memref<8x8x1024xf32, #tpu.memory_space<vmem>>, vector<1x1x16xf32>,
        %parallel_loop3A_697 = vector.shape_cast %parallel_loop3A_696 : vector<1x1x16xf32> to vector<16xf32>
        %parallel_loop3A_698 = vector.shape_cast %parallel_loop3A_692 : vector<16xf32> to vector<1x1x16xf32>
        tpu.vector_store %arg8[%parallel_loop3A_693, %parallel_loop3A_694, %parallel_loop3A_695], %parallel_loop3A_698 {add = true, strides = array<i32>} : memref<8x8x1024xf32, #tpu.memory_space<vmem>>, vector<1x1x16xf32>,
        %parallel_loop3A_699 = arith.index_cast %rem3A_256 : i32 to index
        %parallel_loop3A_700 = arith.index_cast %parallel_loop3A_280 : i32 to index
        %parallel_loop3A_701 = arith.constant 608 : index
        %parallel_loop3A_702 = tpu.vector_load %arg7[%parallel_loop3A_699, %parallel_loop3A_700, %parallel_loop3A_701] {strides = array<i32>} : memref<5x8x1024xf32, #tpu.memory_space<vmem>>, vector<1x1x16xf32>,
        %parallel_loop3A_703 = vector.shape_cast %parallel_loop3A_702 : vector<1x1x16xf32> to vector<16xf32>
        %parallel_loop3A_704 = arith.index_cast %rem3A_258 : i32 to index
        %parallel_loop3A_705 = arith.index_cast %parallel_loop3A_280 : i32 to index
        %parallel_loop3A_706 = arith.constant 608 : index
        %parallel_loop3A_707 = tpu.vector_load %arg8[%parallel_loop3A_704, %parallel_loop3A_705, %parallel_loop3A_706] {strides = array<i32>} : memref<8x8x1024xf32, #tpu.memory_space<vmem>>, vector<1x1x16xf32>,
        %parallel_loop3A_708 = vector.shape_cast %parallel_loop3A_707 : vector<1x1x16xf32> to vector<16xf32>
        %parallel_loop3A_709 = vector.shape_cast %parallel_loop3A_703 : vector<16xf32> to vector<1x1x16xf32>
        tpu.vector_store %arg8[%parallel_loop3A_704, %parallel_loop3A_705, %parallel_loop3A_706], %parallel_loop3A_709 {add = true, strides = array<i32>} : memref<8x8x1024xf32, #tpu.memory_space<vmem>>, vector<1x1x16xf32>,
        %parallel_loop3A_710 = arith.index_cast %rem3A_256 : i32 to index
        %parallel_loop3A_711 = arith.index_cast %parallel_loop3A_280 : i32 to index
        %parallel_loop3A_712 = arith.constant 624 : index
        %parallel_loop3A_713 = tpu.vector_load %arg7[%parallel_loop3A_710, %parallel_loop3A_711, %parallel_loop3A_712] {strides = array<i32>} : memref<5x8x1024xf32, #tpu.memory_space<vmem>>, vector<1x1x16xf32>,
        %parallel_loop3A_714 = vector.shape_cast %parallel_loop3A_713 : vector<1x1x16xf32> to vector<16xf32>
        %parallel_loop3A_715 = arith.index_cast %rem3A_258 : i32 to index
        %parallel_loop3A_716 = arith.index_cast %parallel_loop3A_280 : i32 to index
        %parallel_loop3A_717 = arith.constant 624 : index
        %parallel_loop3A_718 = tpu.vector_load %arg8[%parallel_loop3A_715, %parallel_loop3A_716, %parallel_loop3A_717] {strides = array<i32>} : memref<8x8x1024xf32, #tpu.memory_space<vmem>>, vector<1x1x16xf32>,
        %parallel_loop3A_719 = vector.shape_cast %parallel_loop3A_718 : vector<1x1x16xf32> to vector<16xf32>
        %parallel_loop3A_720 = vector.shape_cast %parallel_loop3A_714 : vector<16xf32> to vector<1x1x16xf32>
        tpu.vector_store %arg8[%parallel_loop3A_715, %parallel_loop3A_716, %parallel_loop3A_717], %parallel_loop3A_720 {add = true, strides = array<i32>} : memref<8x8x1024xf32, #tpu.memory_space<vmem>>, vector<1x1x16xf32>,
        %parallel_loop3A_721 = arith.index_cast %rem3A_256 : i32 to index
        %parallel_loop3A_722 = arith.index_cast %parallel_loop3A_280 : i32 to index
        %parallel_loop3A_723 = arith.constant 640 : index
        %parallel_loop3A_724 = tpu.vector_load %arg7[%parallel_loop3A_721, %parallel_loop3A_722, %parallel_loop3A_723] {strides = array<i32>} : memref<5x8x1024xf32, #tpu.memory_space<vmem>>, vector<1x1x16xf32>,
        %parallel_loop3A_725 = vector.shape_cast %parallel_loop3A_724 : vector<1x1x16xf32> to vector<16xf32>
        %parallel_loop3A_726 = arith.index_cast %rem3A_258 : i32 to index
        %parallel_loop3A_727 = arith.index_cast %parallel_loop3A_280 : i32 to index
        %parallel_loop3A_728 = arith.constant 640 : index
        %parallel_loop3A_729 = tpu.vector_load %arg8[%parallel_loop3A_726, %parallel_loop3A_727, %parallel_loop3A_728] {strides = array<i32>} : memref<8x8x1024xf32, #tpu.memory_space<vmem>>, vector<1x1x16xf32>,
        %parallel_loop3A_730 = vector.shape_cast %parallel_loop3A_729 : vector<1x1x16xf32> to vector<16xf32>
        %parallel_loop3A_731 = vector.shape_cast %parallel_loop3A_725 : vector<16xf32> to vector<1x1x16xf32>
        tpu.vector_store %arg8[%parallel_loop3A_726, %parallel_loop3A_727, %parallel_loop3A_728], %parallel_loop3A_731 {add = true, strides = array<i32>} : memref<8x8x1024xf32, #tpu.memory_space<vmem>>, vector<1x1x16xf32>,
        %parallel_loop3A_732 = arith.index_cast %rem3A_256 : i32 to index
        %parallel_loop3A_733 = arith.index_cast %parallel_loop3A_280 : i32 to index
        %parallel_loop3A_734 = arith.constant 656 : index
        %parallel_loop3A_735 = tpu.vector_load %arg7[%parallel_loop3A_732, %parallel_loop3A_733, %parallel_loop3A_734] {strides = array<i32>} : memref<5x8x1024xf32, #tpu.memory_space<vmem>>, vector<1x1x16xf32>,
        %parallel_loop3A_736 = vector.shape_cast %parallel_loop3A_735 : vector<1x1x16xf32> to vector<16xf32>
        %parallel_loop3A_737 = arith.index_cast %rem3A_258 : i32 to index
        %parallel_loop3A_738 = arith.index_cast %parallel_loop3A_280 : i32 to index
        %parallel_loop3A_739 = arith.constant 656 : index
        %parallel_loop3A_740 = tpu.vector_load %arg8[%parallel_loop3A_737, %parallel_loop3A_738, %parallel_loop3A_739] {strides = array<i32>} : memref<8x8x1024xf32, #tpu.memory_space<vmem>>, vector<1x1x16xf32>,
        %parallel_loop3A_741 = vector.shape_cast %parallel_loop3A_740 : vector<1x1x16xf32> to vector<16xf32>
        %parallel_loop3A_742 = vector.shape_cast %parallel_loop3A_736 : vector<16xf32> to vector<1x1x16xf32>
        tpu.vector_store %arg8[%parallel_loop3A_737, %parallel_loop3A_738, %parallel_loop3A_739], %parallel_loop3A_742 {add = true, strides = array<i32>} : memref<8x8x1024xf32, #tpu.memory_space<vmem>>, vector<1x1x16xf32>,
        %parallel_loop3A_743 = arith.index_cast %rem3A_256 : i32 to index
        %parallel_loop3A_744 = arith.index_cast %parallel_loop3A_280 : i32 to index
        %parallel_loop3A_745 = arith.constant 672 : index
        %parallel_loop3A_746 = tpu.vector_load %arg7[%parallel_loop3A_743, %parallel_loop3A_744, %parallel_loop3A_745] {strides = array<i32>} : memref<5x8x1024xf32, #tpu.memory_space<vmem>>, vector<1x1x16xf32>,
        %parallel_loop3A_747 = vector.shape_cast %parallel_loop3A_746 : vector<1x1x16xf32> to vector<16xf32>
        %parallel_loop3A_748 = arith.index_cast %rem3A_258 : i32 to index
        %parallel_loop3A_749 = arith.index_cast %parallel_loop3A_280 : i32 to index
        %parallel_loop3A_750 = arith.constant 672 : index
        %parallel_loop3A_751 = tpu.vector_load %arg8[%parallel_loop3A_748, %parallel_loop3A_749, %parallel_loop3A_750] {strides = array<i32>} : memref<8x8x1024xf32, #tpu.memory_space<vmem>>, vector<1x1x16xf32>,
        %parallel_loop3A_752 = vector.shape_cast %parallel_loop3A_751 : vector<1x1x16xf32> to vector<16xf32>
        %parallel_loop3A_753 = vector.shape_cast %parallel_loop3A_747 : vector<16xf32> to vector<1x1x16xf32>
        tpu.vector_store %arg8[%parallel_loop3A_748, %parallel_loop3A_749, %parallel_loop3A_750], %parallel_loop3A_753 {add = true, strides = array<i32>} : memref<8x8x1024xf32, #tpu.memory_space<vmem>>, vector<1x1x16xf32>,
        %parallel_loop3A_754 = arith.index_cast %rem3A_256 : i32 to index
        %parallel_loop3A_755 = arith.index_cast %parallel_loop3A_280 : i32 to index
        %parallel_loop3A_756 = arith.constant 688 : index
        %parallel_loop3A_757 = tpu.vector_load %arg7[%parallel_loop3A_754, %parallel_loop3A_755, %parallel_loop3A_756] {strides = array<i32>} : memref<5x8x1024xf32, #tpu.memory_space<vmem>>, vector<1x1x16xf32>,
        %parallel_loop3A_758 = vector.shape_cast %parallel_loop3A_757 : vector<1x1x16xf32> to vector<16xf32>
        %parallel_loop3A_759 = arith.index_cast %rem3A_258 : i32 to index
        %parallel_loop3A_760 = arith.index_cast %parallel_loop3A_280 : i32 to index
        %parallel_loop3A_761 = arith.constant 688 : index
        %parallel_loop3A_762 = tpu.vector_load %arg8[%parallel_loop3A_759, %parallel_loop3A_760, %parallel_loop3A_761] {strides = array<i32>} : memref<8x8x1024xf32, #tpu.memory_space<vmem>>, vector<1x1x16xf32>,
        %parallel_loop3A_763 = vector.shape_cast %parallel_loop3A_762 : vector<1x1x16xf32> to vector<16xf32>
        %parallel_loop3A_764 = vector.shape_cast %parallel_loop3A_758 : vector<16xf32> to vector<1x1x16xf32>
        tpu.vector_store %arg8[%parallel_loop3A_759, %parallel_loop3A_760, %parallel_loop3A_761], %parallel_loop3A_764 {add = true, strides = array<i32>} : memref<8x8x1024xf32, #tpu.memory_space<vmem>>, vector<1x1x16xf32>,
        %parallel_loop3A_765 = arith.index_cast %rem3A_256 : i32 to index
        %parallel_loop3A_766 = arith.index_cast %parallel_loop3A_280 : i32 to index
        %parallel_loop3A_767 = arith.constant 704 : index
        %parallel_loop3A_768 = tpu.vector_load %arg7[%parallel_loop3A_765, %parallel_loop3A_766, %parallel_loop3A_767] {strides = array<i32>} : memref<5x8x1024xf32, #tpu.memory_space<vmem>>, vector<1x1x16xf32>,
        %parallel_loop3A_769 = vector.shape_cast %parallel_loop3A_768 : vector<1x1x16xf32> to vector<16xf32>
        %parallel_loop3A_770 = arith.index_cast %rem3A_258 : i32 to index
        %parallel_loop3A_771 = arith.index_cast %parallel_loop3A_280 : i32 to index
        %parallel_loop3A_772 = arith.constant 704 : index
        %parallel_loop3A_773 = tpu.vector_load %arg8[%parallel_loop3A_770, %parallel_loop3A_771, %parallel_loop3A_772] {strides = array<i32>} : memref<8x8x1024xf32, #tpu.memory_space<vmem>>, vector<1x1x16xf32>,
        %parallel_loop3A_774 = vector.shape_cast %parallel_loop3A_773 : vector<1x1x16xf32> to vector<16xf32>
        %parallel_loop3A_775 = vector.shape_cast %parallel_loop3A_769 : vector<16xf32> to vector<1x1x16xf32>
        tpu.vector_store %arg8[%parallel_loop3A_770, %parallel_loop3A_771, %parallel_loop3A_772], %parallel_loop3A_775 {add = true, strides = array<i32>} : memref<8x8x1024xf32, #tpu.memory_space<vmem>>, vector<1x1x16xf32>,
        %parallel_loop3A_776 = arith.index_cast %rem3A_256 : i32 to index
        %parallel_loop3A_777 = arith.index_cast %parallel_loop3A_280 : i32 to index
        %parallel_loop3A_778 = arith.constant 720 : index
        %parallel_loop3A_779 = tpu.vector_load %arg7[%parallel_loop3A_776, %parallel_loop3A_777, %parallel_loop3A_778] {strides = array<i32>} : memref<5x8x1024xf32, #tpu.memory_space<vmem>>, vector<1x1x16xf32>,
        %parallel_loop3A_780 = vector.shape_cast %parallel_loop3A_779 : vector<1x1x16xf32> to vector<16xf32>
        %parallel_loop3A_781 = arith.index_cast %rem3A_258 : i32 to index
        %parallel_loop3A_782 = arith.index_cast %parallel_loop3A_280 : i32 to index
        %parallel_loop3A_783 = arith.constant 720 : index
        %parallel_loop3A_784 = tpu.vector_load %arg8[%parallel_loop3A_781, %parallel_loop3A_782, %parallel_loop3A_783] {strides = array<i32>} : memref<8x8x1024xf32, #tpu.memory_space<vmem>>, vector<1x1x16xf32>,
        %parallel_loop3A_785 = vector.shape_cast %parallel_loop3A_784 : vector<1x1x16xf32> to vector<16xf32>
        %parallel_loop3A_786 = vector.shape_cast %parallel_loop3A_780 : vector<16xf32> to vector<1x1x16xf32>
        tpu.vector_store %arg8[%parallel_loop3A_781, %parallel_loop3A_782, %parallel_loop3A_783], %parallel_loop3A_786 {add = true, strides = array<i32>} : memref<8x8x1024xf32, #tpu.memory_space<vmem>>, vector<1x1x16xf32>,
        %parallel_loop3A_787 = arith.index_cast %rem3A_256 : i32 to index
        %parallel_loop3A_788 = arith.index_cast %parallel_loop3A_280 : i32 to index
        %parallel_loop3A_789 = arith.constant 736 : index
        %parallel_loop3A_790 = tpu.vector_load %arg7[%parallel_loop3A_787, %parallel_loop3A_788, %parallel_loop3A_789] {strides = array<i32>} : memref<5x8x1024xf32, #tpu.memory_space<vmem>>, vector<1x1x16xf32>,
        %parallel_loop3A_791 = vector.shape_cast %parallel_loop3A_790 : vector<1x1x16xf32> to vector<16xf32>
        %parallel_loop3A_792 = arith.index_cast %rem3A_258 : i32 to index
        %parallel_loop3A_793 = arith.index_cast %parallel_loop3A_280 : i32 to index
        %parallel_loop3A_794 = arith.constant 736 : index
        %parallel_loop3A_795 = tpu.vector_load %arg8[%parallel_loop3A_792, %parallel_loop3A_793, %parallel_loop3A_794] {strides = array<i32>} : memref<8x8x1024xf32, #tpu.memory_space<vmem>>, vector<1x1x16xf32>,
        %parallel_loop3A_796 = vector.shape_cast %parallel_loop3A_795 : vector<1x1x16xf32> to vector<16xf32>
        %parallel_loop3A_797 = vector.shape_cast %parallel_loop3A_791 : vector<16xf32> to vector<1x1x16xf32>
        tpu.vector_store %arg8[%parallel_loop3A_792, %parallel_loop3A_793, %parallel_loop3A_794], %parallel_loop3A_797 {add = true, strides = array<i32>} : memref<8x8x1024xf32, #tpu.memory_space<vmem>>, vector<1x1x16xf32>,
        %parallel_loop3A_798 = arith.index_cast %rem3A_256 : i32 to index
        %parallel_loop3A_799 = arith.index_cast %parallel_loop3A_280 : i32 to index
        %parallel_loop3A_800 = arith.constant 752 : index
        %parallel_loop3A_801 = tpu.vector_load %arg7[%parallel_loop3A_798, %parallel_loop3A_799, %parallel_loop3A_800] {strides = array<i32>} : memref<5x8x1024xf32, #tpu.memory_space<vmem>>, vector<1x1x16xf32>,
        %parallel_loop3A_802 = vector.shape_cast %parallel_loop3A_801 : vector<1x1x16xf32> to vector<16xf32>
        %parallel_loop3A_803 = arith.index_cast %rem3A_258 : i32 to index
        %parallel_loop3A_804 = arith.index_cast %parallel_loop3A_280 : i32 to index
        %parallel_loop3A_805 = arith.constant 752 : index
        %parallel_loop3A_806 = tpu.vector_load %arg8[%parallel_loop3A_803, %parallel_loop3A_804, %parallel_loop3A_805] {strides = array<i32>} : memref<8x8x1024xf32, #tpu.memory_space<vmem>>, vector<1x1x16xf32>,
        %parallel_loop3A_807 = vector.shape_cast %parallel_loop3A_806 : vector<1x1x16xf32> to vector<16xf32>
        %parallel_loop3A_808 = vector.shape_cast %parallel_loop3A_802 : vector<16xf32> to vector<1x1x16xf32>
        tpu.vector_store %arg8[%parallel_loop3A_803, %parallel_loop3A_804, %parallel_loop3A_805], %parallel_loop3A_808 {add = true, strides = array<i32>} : memref<8x8x1024xf32, #tpu.memory_space<vmem>>, vector<1x1x16xf32>,
        %parallel_loop3A_809 = arith.index_cast %rem3A_256 : i32 to index
        %parallel_loop3A_810 = arith.index_cast %parallel_loop3A_280 : i32 to index
        %parallel_loop3A_811 = arith.constant 768 : index
        %parallel_loop3A_812 = tpu.vector_load %arg7[%parallel_loop3A_809, %parallel_loop3A_810, %parallel_loop3A_811] {strides = array<i32>} : memref<5x8x1024xf32, #tpu.memory_space<vmem>>, vector<1x1x16xf32>,
        %parallel_loop3A_813 = vector.shape_cast %parallel_loop3A_812 : vector<1x1x16xf32> to vector<16xf32>
        %parallel_loop3A_814 = arith.index_cast %rem3A_258 : i32 to index
        %parallel_loop3A_815 = arith.index_cast %parallel_loop3A_280 : i32 to index
        %parallel_loop3A_816 = arith.constant 768 : index
        %parallel_loop3A_817 = tpu.vector_load %arg8[%parallel_loop3A_814, %parallel_loop3A_815, %parallel_loop3A_816] {strides = array<i32>} : memref<8x8x1024xf32, #tpu.memory_space<vmem>>, vector<1x1x16xf32>,
        %parallel_loop3A_818 = vector.shape_cast %parallel_loop3A_817 : vector<1x1x16xf32> to vector<16xf32>
        %parallel_loop3A_819 = vector.shape_cast %parallel_loop3A_813 : vector<16xf32> to vector<1x1x16xf32>
        tpu.vector_store %arg8[%parallel_loop3A_814, %parallel_loop3A_815, %parallel_loop3A_816], %parallel_loop3A_819 {add = true, strides = array<i32>} : memref<8x8x1024xf32, #tpu.memory_space<vmem>>, vector<1x1x16xf32>,
        %parallel_loop3A_820 = arith.index_cast %rem3A_256 : i32 to index
        %parallel_loop3A_821 = arith.index_cast %parallel_loop3A_280 : i32 to index
        %parallel_loop3A_822 = arith.constant 784 : index
        %parallel_loop3A_823 = tpu.vector_load %arg7[%parallel_loop3A_820, %parallel_loop3A_821, %parallel_loop3A_822] {strides = array<i32>} : memref<5x8x1024xf32, #tpu.memory_space<vmem>>, vector<1x1x16xf32>,
        %parallel_loop3A_824 = vector.shape_cast %parallel_loop3A_823 : vector<1x1x16xf32> to vector<16xf32>
        %parallel_loop3A_825 = arith.index_cast %rem3A_258 : i32 to index
        %parallel_loop3A_826 = arith.index_cast %parallel_loop3A_280 : i32 to index
        %parallel_loop3A_827 = arith.constant 784 : index
        %parallel_loop3A_828 = tpu.vector_load %arg8[%parallel_loop3A_825, %parallel_loop3A_826, %parallel_loop3A_827] {strides = array<i32>} : memref<8x8x1024xf32, #tpu.memory_space<vmem>>, vector<1x1x16xf32>,
        %parallel_loop3A_829 = vector.shape_cast %parallel_loop3A_828 : vector<1x1x16xf32> to vector<16xf32>
        %parallel_loop3A_830 = vector.shape_cast %parallel_loop3A_824 : vector<16xf32> to vector<1x1x16xf32>
        tpu.vector_store %arg8[%parallel_loop3A_825, %parallel_loop3A_826, %parallel_loop3A_827], %parallel_loop3A_830 {add = true, strides = array<i32>} : memref<8x8x1024xf32, #tpu.memory_space<vmem>>, vector<1x1x16xf32>,
        %parallel_loop3A_831 = arith.index_cast %rem3A_256 : i32 to index
        %parallel_loop3A_832 = arith.index_cast %parallel_loop3A_280 : i32 to index
        %parallel_loop3A_833 = arith.constant 800 : index
        %parallel_loop3A_834 = tpu.vector_load %arg7[%parallel_loop3A_831, %parallel_loop3A_832, %parallel_loop3A_833] {strides = array<i32>} : memref<5x8x1024xf32, #tpu.memory_space<vmem>>, vector<1x1x16xf32>,
        %parallel_loop3A_835 = vector.shape_cast %parallel_loop3A_834 : vector<1x1x16xf32> to vector<16xf32>
        %parallel_loop3A_836 = arith.index_cast %rem3A_258 : i32 to index
        %parallel_loop3A_837 = arith.index_cast %parallel_loop3A_280 : i32 to index
        %parallel_loop3A_838 = arith.constant 800 : index
        %parallel_loop3A_839 = tpu.vector_load %arg8[%parallel_loop3A_836, %parallel_loop3A_837, %parallel_loop3A_838] {strides = array<i32>} : memref<8x8x1024xf32, #tpu.memory_space<vmem>>, vector<1x1x16xf32>,
        %parallel_loop3A_840 = vector.shape_cast %parallel_loop3A_839 : vector<1x1x16xf32> to vector<16xf32>
        %parallel_loop3A_841 = vector.shape_cast %parallel_loop3A_835 : vector<16xf32> to vector<1x1x16xf32>
        tpu.vector_store %arg8[%parallel_loop3A_836, %parallel_loop3A_837, %parallel_loop3A_838], %parallel_loop3A_841 {add = true, strides = array<i32>} : memref<8x8x1024xf32, #tpu.memory_space<vmem>>, vector<1x1x16xf32>,
        %parallel_loop3A_842 = arith.index_cast %rem3A_256 : i32 to index
        %parallel_loop3A_843 = arith.index_cast %parallel_loop3A_280 : i32 to index
        %parallel_loop3A_844 = arith.constant 816 : index
        %parallel_loop3A_845 = tpu.vector_load %arg7[%parallel_loop3A_842, %parallel_loop3A_843, %parallel_loop3A_844] {strides = array<i32>} : memref<5x8x1024xf32, #tpu.memory_space<vmem>>, vector<1x1x16xf32>,
        %parallel_loop3A_846 = vector.shape_cast %parallel_loop3A_845 : vector<1x1x16xf32> to vector<16xf32>
        %parallel_loop3A_847 = arith.index_cast %rem3A_258 : i32 to index
        %parallel_loop3A_848 = arith.index_cast %parallel_loop3A_280 : i32 to index
        %parallel_loop3A_849 = arith.constant 816 : index
        %parallel_loop3A_850 = tpu.vector_load %arg8[%parallel_loop3A_847, %parallel_loop3A_848, %parallel_loop3A_849] {strides = array<i32>} : memref<8x8x1024xf32, #tpu.memory_space<vmem>>, vector<1x1x16xf32>,
        %parallel_loop3A_851 = vector.shape_cast %parallel_loop3A_850 : vector<1x1x16xf32> to vector<16xf32>
        %parallel_loop3A_852 = vector.shape_cast %parallel_loop3A_846 : vector<16xf32> to vector<1x1x16xf32>
        tpu.vector_store %arg8[%parallel_loop3A_847, %parallel_loop3A_848, %parallel_loop3A_849], %parallel_loop3A_852 {add = true, strides = array<i32>} : memref<8x8x1024xf32, #tpu.memory_space<vmem>>, vector<1x1x16xf32>,
        %parallel_loop3A_853 = arith.index_cast %rem3A_256 : i32 to index
        %parallel_loop3A_854 = arith.index_cast %parallel_loop3A_280 : i32 to index
        %parallel_loop3A_855 = arith.constant 832 : index
        %parallel_loop3A_856 = tpu.vector_load %arg7[%parallel_loop3A_853, %parallel_loop3A_854, %parallel_loop3A_855] {strides = array<i32>} : memref<5x8x1024xf32, #tpu.memory_space<vmem>>, vector<1x1x16xf32>,
        %parallel_loop3A_857 = vector.shape_cast %parallel_loop3A_856 : vector<1x1x16xf32> to vector<16xf32>
        %parallel_loop3A_858 = arith.index_cast %rem3A_258 : i32 to index
        %parallel_loop3A_859 = arith.index_cast %parallel_loop3A_280 : i32 to index
        %parallel_loop3A_860 = arith.constant 832 : index
        %parallel_loop3A_861 = tpu.vector_load %arg8[%parallel_loop3A_858, %parallel_loop3A_859, %parallel_loop3A_860] {strides = array<i32>} : memref<8x8x1024xf32, #tpu.memory_space<vmem>>, vector<1x1x16xf32>,
        %parallel_loop3A_862 = vector.shape_cast %parallel_loop3A_861 : vector<1x1x16xf32> to vector<16xf32>
        %parallel_loop3A_863 = vector.shape_cast %parallel_loop3A_857 : vector<16xf32> to vector<1x1x16xf32>
        tpu.vector_store %arg8[%parallel_loop3A_858, %parallel_loop3A_859, %parallel_loop3A_860], %parallel_loop3A_863 {add = true, strides = array<i32>} : memref<8x8x1024xf32, #tpu.memory_space<vmem>>, vector<1x1x16xf32>,
        %parallel_loop3A_864 = arith.index_cast %rem3A_256 : i32 to index
        %parallel_loop3A_865 = arith.index_cast %parallel_loop3A_280 : i32 to index
        %parallel_loop3A_866 = arith.constant 848 : index
        %parallel_loop3A_867 = tpu.vector_load %arg7[%parallel_loop3A_864, %parallel_loop3A_865, %parallel_loop3A_866] {strides = array<i32>} : memref<5x8x1024xf32, #tpu.memory_space<vmem>>, vector<1x1x16xf32>,
        %parallel_loop3A_868 = vector.shape_cast %parallel_loop3A_867 : vector<1x1x16xf32> to vector<16xf32>
        %parallel_loop3A_869 = arith.index_cast %rem3A_258 : i32 to index
        %parallel_loop3A_870 = arith.index_cast %parallel_loop3A_280 : i32 to index
        %parallel_loop3A_871 = arith.constant 848 : index
        %parallel_loop3A_872 = tpu.vector_load %arg8[%parallel_loop3A_869, %parallel_loop3A_870, %parallel_loop3A_871] {strides = array<i32>} : memref<8x8x1024xf32, #tpu.memory_space<vmem>>, vector<1x1x16xf32>,
        %parallel_loop3A_873 = vector.shape_cast %parallel_loop3A_872 : vector<1x1x16xf32> to vector<16xf32>
        %parallel_loop3A_874 = vector.shape_cast %parallel_loop3A_868 : vector<16xf32> to vector<1x1x16xf32>
        tpu.vector_store %arg8[%parallel_loop3A_869, %parallel_loop3A_870, %parallel_loop3A_871], %parallel_loop3A_874 {add = true, strides = array<i32>} : memref<8x8x1024xf32, #tpu.memory_space<vmem>>, vector<1x1x16xf32>,
        %parallel_loop3A_875 = arith.index_cast %rem3A_256 : i32 to index
        %parallel_loop3A_876 = arith.index_cast %parallel_loop3A_280 : i32 to index
        %parallel_loop3A_877 = arith.constant 864 : index
        %parallel_loop3A_878 = tpu.vector_load %arg7[%parallel_loop3A_875, %parallel_loop3A_876, %parallel_loop3A_877] {strides = array<i32>} : memref<5x8x1024xf32, #tpu.memory_space<vmem>>, vector<1x1x16xf32>,
        %parallel_loop3A_879 = vector.shape_cast %parallel_loop3A_878 : vector<1x1x16xf32> to vector<16xf32>
        %parallel_loop3A_880 = arith.index_cast %rem3A_258 : i32 to index
        %parallel_loop3A_881 = arith.index_cast %parallel_loop3A_280 : i32 to index
        %parallel_loop3A_882 = arith.constant 864 : index
        %parallel_loop3A_883 = tpu.vector_load %arg8[%parallel_loop3A_880, %parallel_loop3A_881, %parallel_loop3A_882] {strides = array<i32>} : memref<8x8x1024xf32, #tpu.memory_space<vmem>>, vector<1x1x16xf32>,
        %parallel_loop3A_884 = vector.shape_cast %parallel_loop3A_883 : vector<1x1x16xf32> to vector<16xf32>
        %parallel_loop3A_885 = vector.shape_cast %parallel_loop3A_879 : vector<16xf32> to vector<1x1x16xf32>
        tpu.vector_store %arg8[%parallel_loop3A_880, %parallel_loop3A_881, %parallel_loop3A_882], %parallel_loop3A_885 {add = true, strides = array<i32>} : memref<8x8x1024xf32, #tpu.memory_space<vmem>>, vector<1x1x16xf32>,
        %parallel_loop3A_886 = arith.index_cast %rem3A_256 : i32 to index
        %parallel_loop3A_887 = arith.index_cast %parallel_loop3A_280 : i32 to index
        %parallel_loop3A_888 = arith.constant 880 : index
        %parallel_loop3A_889 = tpu.vector_load %arg7[%parallel_loop3A_886, %parallel_loop3A_887, %parallel_loop3A_888] {strides = array<i32>} : memref<5x8x1024xf32, #tpu.memory_space<vmem>>, vector<1x1x16xf32>,
        %parallel_loop3A_890 = vector.shape_cast %parallel_loop3A_889 : vector<1x1x16xf32> to vector<16xf32>
        %parallel_loop3A_891 = arith.index_cast %rem3A_258 : i32 to index
        %parallel_loop3A_892 = arith.index_cast %parallel_loop3A_280 : i32 to index
        %parallel_loop3A_893 = arith.constant 880 : index
        %parallel_loop3A_894 = tpu.vector_load %arg8[%parallel_loop3A_891, %parallel_loop3A_892, %parallel_loop3A_893] {strides = array<i32>} : memref<8x8x1024xf32, #tpu.memory_space<vmem>>, vector<1x1x16xf32>,
        %parallel_loop3A_895 = vector.shape_cast %parallel_loop3A_894 : vector<1x1x16xf32> to vector<16xf32>
        %parallel_loop3A_896 = vector.shape_cast %parallel_loop3A_890 : vector<16xf32> to vector<1x1x16xf32>
        tpu.vector_store %arg8[%parallel_loop3A_891, %parallel_loop3A_892, %parallel_loop3A_893], %parallel_loop3A_896 {add = true, strides = array<i32>} : memref<8x8x1024xf32, #tpu.memory_space<vmem>>, vector<1x1x16xf32>,
        %parallel_loop3A_897 = arith.index_cast %rem3A_256 : i32 to index
        %parallel_loop3A_898 = arith.index_cast %parallel_loop3A_280 : i32 to index
        %parallel_loop3A_899 = arith.constant 896 : index
        %parallel_loop3A_900 = tpu.vector_load %arg7[%parallel_loop3A_897, %parallel_loop3A_898, %parallel_loop3A_899] {strides = array<i32>} : memref<5x8x1024xf32, #tpu.memory_space<vmem>>, vector<1x1x16xf32>,
        %parallel_loop3A_901 = vector.shape_cast %parallel_loop3A_900 : vector<1x1x16xf32> to vector<16xf32>
        %parallel_loop3A_902 = arith.index_cast %rem3A_258 : i32 to index
        %parallel_loop3A_903 = arith.index_cast %parallel_loop3A_280 : i32 to index
        %parallel_loop3A_904 = arith.constant 896 : index
        %parallel_loop3A_905 = tpu.vector_load %arg8[%parallel_loop3A_902, %parallel_loop3A_903, %parallel_loop3A_904] {strides = array<i32>} : memref<8x8x1024xf32, #tpu.memory_space<vmem>>, vector<1x1x16xf32>,
        %parallel_loop3A_906 = vector.shape_cast %parallel_loop3A_905 : vector<1x1x16xf32> to vector<16xf32>
        %parallel_loop3A_907 = vector.shape_cast %parallel_loop3A_901 : vector<16xf32> to vector<1x1x16xf32>
        tpu.vector_store %arg8[%parallel_loop3A_902, %parallel_loop3A_903, %parallel_loop3A_904], %parallel_loop3A_907 {add = true, strides = array<i32>} : memref<8x8x1024xf32, #tpu.memory_space<vmem>>, vector<1x1x16xf32>,
        %parallel_loop3A_908 = arith.index_cast %rem3A_256 : i32 to index
        %parallel_loop3A_909 = arith.index_cast %parallel_loop3A_280 : i32 to index
        %parallel_loop3A_910 = arith.constant 912 : index
        %parallel_loop3A_911 = tpu.vector_load %arg7[%parallel_loop3A_908, %parallel_loop3A_909, %parallel_loop3A_910] {strides = array<i32>} : memref<5x8x1024xf32, #tpu.memory_space<vmem>>, vector<1x1x16xf32>,
        %parallel_loop3A_912 = vector.shape_cast %parallel_loop3A_911 : vector<1x1x16xf32> to vector<16xf32>
        %parallel_loop3A_913 = arith.index_cast %rem3A_258 : i32 to index
        %parallel_loop3A_914 = arith.index_cast %parallel_loop3A_280 : i32 to index
        %parallel_loop3A_915 = arith.constant 912 : index
        %parallel_loop3A_916 = tpu.vector_load %arg8[%parallel_loop3A_913, %parallel_loop3A_914, %parallel_loop3A_915] {strides = array<i32>} : memref<8x8x1024xf32, #tpu.memory_space<vmem>>, vector<1x1x16xf32>,
        %parallel_loop3A_917 = vector.shape_cast %parallel_loop3A_916 : vector<1x1x16xf32> to vector<16xf32>
        %parallel_loop3A_918 = vector.shape_cast %parallel_loop3A_912 : vector<16xf32> to vector<1x1x16xf32>
        tpu.vector_store %arg8[%parallel_loop3A_913, %parallel_loop3A_914, %parallel_loop3A_915], %parallel_loop3A_918 {add = true, strides = array<i32>} : memref<8x8x1024xf32, #tpu.memory_space<vmem>>, vector<1x1x16xf32>,
        %parallel_loop3A_919 = arith.index_cast %rem3A_256 : i32 to index
        %parallel_loop3A_920 = arith.index_cast %parallel_loop3A_280 : i32 to index
        %parallel_loop3A_921 = arith.constant 928 : index
        %parallel_loop3A_922 = tpu.vector_load %arg7[%parallel_loop3A_919, %parallel_loop3A_920, %parallel_loop3A_921] {strides = array<i32>} : memref<5x8x1024xf32, #tpu.memory_space<vmem>>, vector<1x1x16xf32>,
        %parallel_loop3A_923 = vector.shape_cast %parallel_loop3A_922 : vector<1x1x16xf32> to vector<16xf32>
        %parallel_loop3A_924 = arith.index_cast %rem3A_258 : i32 to index
        %parallel_loop3A_925 = arith.index_cast %parallel_loop3A_280 : i32 to index
        %parallel_loop3A_926 = arith.constant 928 : index
        %parallel_loop3A_927 = tpu.vector_load %arg8[%parallel_loop3A_924, %parallel_loop3A_925, %parallel_loop3A_926] {strides = array<i32>} : memref<8x8x1024xf32, #tpu.memory_space<vmem>>, vector<1x1x16xf32>,
        %parallel_loop3A_928 = vector.shape_cast %parallel_loop3A_927 : vector<1x1x16xf32> to vector<16xf32>
        %parallel_loop3A_929 = vector.shape_cast %parallel_loop3A_923 : vector<16xf32> to vector<1x1x16xf32>
        tpu.vector_store %arg8[%parallel_loop3A_924, %parallel_loop3A_925, %parallel_loop3A_926], %parallel_loop3A_929 {add = true, strides = array<i32>} : memref<8x8x1024xf32, #tpu.memory_space<vmem>>, vector<1x1x16xf32>,
        %parallel_loop3A_930 = arith.index_cast %rem3A_256 : i32 to index
        %parallel_loop3A_931 = arith.index_cast %parallel_loop3A_280 : i32 to index
        %parallel_loop3A_932 = arith.constant 944 : index
        %parallel_loop3A_933 = tpu.vector_load %arg7[%parallel_loop3A_930, %parallel_loop3A_931, %parallel_loop3A_932] {strides = array<i32>} : memref<5x8x1024xf32, #tpu.memory_space<vmem>>, vector<1x1x16xf32>,
        %parallel_loop3A_934 = vector.shape_cast %parallel_loop3A_933 : vector<1x1x16xf32> to vector<16xf32>
        %parallel_loop3A_935 = arith.index_cast %rem3A_258 : i32 to index
        %parallel_loop3A_936 = arith.index_cast %parallel_loop3A_280 : i32 to index
        %parallel_loop3A_937 = arith.constant 944 : index
        %parallel_loop3A_938 = tpu.vector_load %arg8[%parallel_loop3A_935, %parallel_loop3A_936, %parallel_loop3A_937] {strides = array<i32>} : memref<8x8x1024xf32, #tpu.memory_space<vmem>>, vector<1x1x16xf32>,
        %parallel_loop3A_939 = vector.shape_cast %parallel_loop3A_938 : vector<1x1x16xf32> to vector<16xf32>
        %parallel_loop3A_940 = vector.shape_cast %parallel_loop3A_934 : vector<16xf32> to vector<1x1x16xf32>
        tpu.vector_store %arg8[%parallel_loop3A_935, %parallel_loop3A_936, %parallel_loop3A_937], %parallel_loop3A_940 {add = true, strides = array<i32>} : memref<8x8x1024xf32, #tpu.memory_space<vmem>>, vector<1x1x16xf32>,
        %parallel_loop3A_941 = arith.index_cast %rem3A_256 : i32 to index
        %parallel_loop3A_942 = arith.index_cast %parallel_loop3A_280 : i32 to index
        %parallel_loop3A_943 = arith.constant 960 : index
        %parallel_loop3A_944 = tpu.vector_load %arg7[%parallel_loop3A_941, %parallel_loop3A_942, %parallel_loop3A_943] {strides = array<i32>} : memref<5x8x1024xf32, #tpu.memory_space<vmem>>, vector<1x1x16xf32>,
        %parallel_loop3A_945 = vector.shape_cast %parallel_loop3A_944 : vector<1x1x16xf32> to vector<16xf32>
        %parallel_loop3A_946 = arith.index_cast %rem3A_258 : i32 to index
        %parallel_loop3A_947 = arith.index_cast %parallel_loop3A_280 : i32 to index
        %parallel_loop3A_948 = arith.constant 960 : index
        %parallel_loop3A_949 = tpu.vector_load %arg8[%parallel_loop3A_946, %parallel_loop3A_947, %parallel_loop3A_948] {strides = array<i32>} : memref<8x8x1024xf32, #tpu.memory_space<vmem>>, vector<1x1x16xf32>,
        %parallel_loop3A_950 = vector.shape_cast %parallel_loop3A_949 : vector<1x1x16xf32> to vector<16xf32>
        %parallel_loop3A_951 = vector.shape_cast %parallel_loop3A_945 : vector<16xf32> to vector<1x1x16xf32>
        tpu.vector_store %arg8[%parallel_loop3A_946, %parallel_loop3A_947, %parallel_loop3A_948], %parallel_loop3A_951 {add = true, strides = array<i32>} : memref<8x8x1024xf32, #tpu.memory_space<vmem>>, vector<1x1x16xf32>,
        %parallel_loop3A_952 = arith.index_cast %rem3A_256 : i32 to index
        %parallel_loop3A_953 = arith.index_cast %parallel_loop3A_280 : i32 to index
        %parallel_loop3A_954 = arith.constant 976 : index
        %parallel_loop3A_955 = tpu.vector_load %arg7[%parallel_loop3A_952, %parallel_loop3A_953, %parallel_loop3A_954] {strides = array<i32>} : memref<5x8x1024xf32, #tpu.memory_space<vmem>>, vector<1x1x16xf32>,
        %parallel_loop3A_956 = vector.shape_cast %parallel_loop3A_955 : vector<1x1x16xf32> to vector<16xf32>
        %parallel_loop3A_957 = arith.index_cast %rem3A_258 : i32 to index
        %parallel_loop3A_958 = arith.index_cast %parallel_loop3A_280 : i32 to index
        %parallel_loop3A_959 = arith.constant 976 : index
        %parallel_loop3A_960 = tpu.vector_load %arg8[%parallel_loop3A_957, %parallel_loop3A_958, %parallel_loop3A_959] {strides = array<i32>} : memref<8x8x1024xf32, #tpu.memory_space<vmem>>, vector<1x1x16xf32>,
        %parallel_loop3A_961 = vector.shape_cast %parallel_loop3A_960 : vector<1x1x16xf32> to vector<16xf32>
        %parallel_loop3A_962 = vector.shape_cast %parallel_loop3A_956 : vector<16xf32> to vector<1x1x16xf32>
        tpu.vector_store %arg8[%parallel_loop3A_957, %parallel_loop3A_958, %parallel_loop3A_959], %parallel_loop3A_962 {add = true, strides = array<i32>} : memref<8x8x1024xf32, #tpu.memory_space<vmem>>, vector<1x1x16xf32>,
        %parallel_loop3A_963 = arith.index_cast %rem3A_256 : i32 to index
        %parallel_loop3A_964 = arith.index_cast %parallel_loop3A_280 : i32 to index
        %parallel_loop3A_965 = arith.constant 992 : index
        %parallel_loop3A_966 = tpu.vector_load %arg7[%parallel_loop3A_963, %parallel_loop3A_964, %parallel_loop3A_965] {strides = array<i32>} : memref<5x8x1024xf32, #tpu.memory_space<vmem>>, vector<1x1x16xf32>,
        %parallel_loop3A_967 = vector.shape_cast %parallel_loop3A_966 : vector<1x1x16xf32> to vector<16xf32>
        %parallel_loop3A_968 = arith.index_cast %rem3A_258 : i32 to index
        %parallel_loop3A_969 = arith.index_cast %parallel_loop3A_280 : i32 to index
        %parallel_loop3A_970 = arith.constant 992 : index
        %parallel_loop3A_971 = tpu.vector_load %arg8[%parallel_loop3A_968, %parallel_loop3A_969, %parallel_loop3A_970] {strides = array<i32>} : memref<8x8x1024xf32, #tpu.memory_space<vmem>>, vector<1x1x16xf32>,
        %parallel_loop3A_972 = vector.shape_cast %parallel_loop3A_971 : vector<1x1x16xf32> to vector<16xf32>
        %parallel_loop3A_973 = vector.shape_cast %parallel_loop3A_967 : vector<16xf32> to vector<1x1x16xf32>
        tpu.vector_store %arg8[%parallel_loop3A_968, %parallel_loop3A_969, %parallel_loop3A_970], %parallel_loop3A_973 {add = true, strides = array<i32>} : memref<8x8x1024xf32, #tpu.memory_space<vmem>>, vector<1x1x16xf32>,
        %parallel_loop3A_974 = arith.index_cast %rem3A_256 : i32 to index
        %parallel_loop3A_975 = arith.index_cast %parallel_loop3A_280 : i32 to index
        %parallel_loop3A_976 = arith.constant 1008 : index
        %parallel_loop3A_977 = tpu.vector_load %arg7[%parallel_loop3A_974, %parallel_loop3A_975, %parallel_loop3A_976] {strides = array<i32>} : memref<5x8x1024xf32, #tpu.memory_space<vmem>>, vector<1x1x16xf32>,
        %parallel_loop3A_978 = vector.shape_cast %parallel_loop3A_977 : vector<1x1x16xf32> to vector<16xf32>
        %parallel_loop3A_979 = arith.index_cast %rem3A_258 : i32 to index
        %parallel_loop3A_980 = arith.index_cast %parallel_loop3A_280 : i32 to index
        %parallel_loop3A_981 = arith.constant 1008 : index
        %parallel_loop3A_982 = tpu.vector_load %arg8[%parallel_loop3A_979, %parallel_loop3A_980, %parallel_loop3A_981] {strides = array<i32>} : memref<8x8x1024xf32, #tpu.memory_space<vmem>>, vector<1x1x16xf32>,
        %parallel_loop3A_983 = vector.shape_cast %parallel_loop3A_982 : vector<1x1x16xf32> to vector<16xf32>
        %parallel_loop3A_984 = vector.shape_cast %parallel_loop3A_978 : vector<16xf32> to vector<1x1x16xf32>
        tpu.vector_store %arg8[%parallel_loop3A_979, %parallel_loop3A_980, %parallel_loop3A_981], %parallel_loop3A_984 {add = true, strides = array<i32>} : memref<8x8x1024xf32, #tpu.memory_space<vmem>>, vector<1x1x16xf32>,
      } {sc.loop_unroll_factor = 4 : i64, sc.parallel_access}
      %rem3A_261 = arith.constant 8 : i32
      %rem3A_262 = arith.remsi %scan3A_213, %rem3A_261 : i32
      %mul3A_263 = arith.constant 8 : i32
      %mul3A_264 = arith.muli %scan3A_213, %mul3A_263 : i32
      %add3A_265 = arith.addi %mul3A_2, %mul3A_264 : i32
      %dma_start3A_266 = arith.constant 0 : i32
      %dma_start3A_267 = arith.constant 0 : i32
      %dma_start3A_268 = tpu.memref_slice %arg8[%rem3A_262, %dma_start3A_266, %dma_start3A_267] : memref<8x8x1024xf32, #tpu.memory_space<vmem>> -> memref<1x8x1024xf32, #tpu.memory_space<vmem>>
      %dma_start3A_269 = tpu.memref_squeeze %dma_start3A_268 : memref<1x8x1024xf32, #tpu.memory_space<vmem>> -> memref<8x1024xf32, #tpu.memory_space<vmem>>
      %dma_start3A_270 = arith.constant 0 : i32
      %dma_start3A_271 = tpu.memref_slice %arg5[%add3A_265, %dma_start3A_270] : memref<32768x1024xf32, #tpu.memory_space<hbm>> -> memref<8x1024xf32, #tpu.memory_space<hbm>>
      %dma_start3A_272 = tpu.memref_slice %arg11[%rem3A_262] : memref<8x!tpu.dma_semaphore, #tpu.memory_space<semaphore_mem>> -> memref<1x!tpu.dma_semaphore, #tpu.memory_space<semaphore_mem>>
      %dma_start3A_273 = tpu.memref_squeeze %dma_start3A_272 : memref<1x!tpu.dma_semaphore, #tpu.memory_space<semaphore_mem>> -> memref<!tpu.dma_semaphore, #tpu.memory_space<semaphore_mem>>
      %dma_start3A_274 = arith.constant 0 : i32
      %dma_start3A_275 = tpu.memref_slice %arg5[%add3A_265, %dma_start3A_274] : memref<32768x1024xf32, #tpu.memory_space<hbm>> -> memref<8x1024xf32, #tpu.memory_space<hbm>>
      %dma_start3A_276 = arith.constant 0 : i32
      %dma_start3A_277 = arith.constant 0 : i32
      %dma_start3A_278 = tpu.memref_slice %arg8[%rem3A_262, %dma_start3A_276, %dma_start3A_277] : memref<8x8x1024xf32, #tpu.memory_space<vmem>> -> memref<1x8x1024xf32, #tpu.memory_space<vmem>>
      %dma_start3A_279 = tpu.memref_squeeze %dma_start3A_278 : memref<1x8x1024xf32, #tpu.memory_space<vmem>> -> memref<8x1024xf32, #tpu.memory_space<vmem>>
      tpu.enqueue_dma source(%dma_start3A_279 : memref<8x1024xf32, #tpu.memory_space<vmem>>) target(%dma_start3A_275 : memref<8x1024xf32, #tpu.memory_space<hbm>>) target_semaphore(%dma_start3A_273 : memref<!tpu.dma_semaphore, #tpu.memory_space<semaphore_mem>>)
    }
    %scan3A_137 = arith.constant 128 : i32
    %rem3A_138 = arith.constant 124 : i32
    %rem3A_139 = arith.constant 8 : i32
    %rem3A_140 = arith.remsi %rem3A_138, %rem3A_139 : i32
    %add3A_141 = arith.constant 992 : i32
    %add3A_142 = arith.addi %mul3A_2, %add3A_141 : i32
    %dma_wait3A = arith.constant 0 : i32
    %dma_wait3A_143 = arith.constant 0 : i32
    %dma_wait3A_144 = tpu.memref_slice %arg8[%rem3A_140, %dma_wait3A, %dma_wait3A_143] : memref<8x8x1024xf32, #tpu.memory_space<vmem>> -> memref<1x8x1024xf32, #tpu.memory_space<vmem>>
    %dma_wait3A_145 = tpu.memref_squeeze %dma_wait3A_144 : memref<1x8x1024xf32, #tpu.memory_space<vmem>> -> memref<8x1024xf32, #tpu.memory_space<vmem>>
    %dma_wait3A_146 = arith.constant 0 : i32
    %dma_wait3A_147 = tpu.memref_slice %arg5[%add3A_142, %dma_wait3A_146] : memref<32768x1024xf32, #tpu.memory_space<hbm>> -> memref<8x1024xf32, #tpu.memory_space<hbm>>
    %dma_wait3A_148 = tpu.memref_slice %arg11[%rem3A_140] : memref<8x!tpu.dma_semaphore, #tpu.memory_space<semaphore_mem>> -> memref<1x!tpu.dma_semaphore, #tpu.memory_space<semaphore_mem>>
    %dma_wait3A_149 = tpu.memref_squeeze %dma_wait3A_148 : memref<1x!tpu.dma_semaphore, #tpu.memory_space<semaphore_mem>> -> memref<!tpu.dma_semaphore, #tpu.memory_space<semaphore_mem>>
    %dma_wait3A_150 = arith.constant 0 : i32
    %dma_wait3A_151 = tpu.memref_slice %arg5[%add3A_142, %dma_wait3A_150] : memref<32768x1024xf32, #tpu.memory_space<hbm>> -> memref<8x1024xf32, #tpu.memory_space<hbm>>
    %dma_wait3A_152 = arith.constant 0 : i32
    %dma_wait3A_153 = arith.constant 0 : i32
    %dma_wait3A_154 = tpu.memref_slice %arg8[%rem3A_140, %dma_wait3A_152, %dma_wait3A_153] : memref<8x8x1024xf32, #tpu.memory_space<vmem>> -> memref<1x8x1024xf32, #tpu.memory_space<vmem>>
    %dma_wait3A_155 = tpu.memref_squeeze %dma_wait3A_154 : memref<1x8x1024xf32, #tpu.memory_space<vmem>> -> memref<8x1024xf32, #tpu.memory_space<vmem>>
    tpu.wait_dma2 semaphore(%dma_wait3A_149 : memref<!tpu.dma_semaphore, #tpu.memory_space<semaphore_mem>>) src(%dma_wait3A_155 : memref<8x1024xf32, #tpu.memory_space<vmem>>) dst(%dma_wait3A_151 : memref<8x1024xf32, #tpu.memory_space<hbm>>)
    %rem3A_156 = arith.constant 125 : i32
    %rem3A_157 = arith.constant 8 : i32
    %rem3A_158 = arith.remsi %rem3A_156, %rem3A_157 : i32
    %add3A_159 = arith.constant 1000 : i32
    %add3A_160 = arith.addi %mul3A_2, %add3A_159 : i32
    %dma_wait3A_161 = arith.constant 0 : i32
    %dma_wait3A_162 = arith.constant 0 : i32
    %dma_wait3A_163 = tpu.memref_slice %arg8[%rem3A_158, %dma_wait3A_161, %dma_wait3A_162] : memref<8x8x1024xf32, #tpu.memory_space<vmem>> -> memref<1x8x1024xf32, #tpu.memory_space<vmem>>
    %dma_wait3A_164 = tpu.memref_squeeze %dma_wait3A_163 : memref<1x8x1024xf32, #tpu.memory_space<vmem>> -> memref<8x1024xf32, #tpu.memory_space<vmem>>
    %dma_wait3A_165 = arith.constant 0 : i32
    %dma_wait3A_166 = tpu.memref_slice %arg5[%add3A_160, %dma_wait3A_165] : memref<32768x1024xf32, #tpu.memory_space<hbm>> -> memref<8x1024xf32, #tpu.memory_space<hbm>>
    %dma_wait3A_167 = tpu.memref_slice %arg11[%rem3A_158] : memref<8x!tpu.dma_semaphore, #tpu.memory_space<semaphore_mem>> -> memref<1x!tpu.dma_semaphore, #tpu.memory_space<semaphore_mem>>
    %dma_wait3A_168 = tpu.memref_squeeze %dma_wait3A_167 : memref<1x!tpu.dma_semaphore, #tpu.memory_space<semaphore_mem>> -> memref<!tpu.dma_semaphore, #tpu.memory_space<semaphore_mem>>
    %dma_wait3A_169 = arith.constant 0 : i32
    %dma_wait3A_170 = tpu.memref_slice %arg5[%add3A_160, %dma_wait3A_169] : memref<32768x1024xf32, #tpu.memory_space<hbm>> -> memref<8x1024xf32, #tpu.memory_space<hbm>>
    %dma_wait3A_171 = arith.constant 0 : i32
    %dma_wait3A_172 = arith.constant 0 : i32
    %dma_wait3A_173 = tpu.memref_slice %arg8[%rem3A_158, %dma_wait3A_171, %dma_wait3A_172] : memref<8x8x1024xf32, #tpu.memory_space<vmem>> -> memref<1x8x1024xf32, #tpu.memory_space<vmem>>
    %dma_wait3A_174 = tpu.memref_squeeze %dma_wait3A_173 : memref<1x8x1024xf32, #tpu.memory_space<vmem>> -> memref<8x1024xf32, #tpu.memory_space<vmem>>
    tpu.wait_dma2 semaphore(%dma_wait3A_168 : memref<!tpu.dma_semaphore, #tpu.memory_space<semaphore_mem>>) src(%dma_wait3A_174 : memref<8x1024xf32, #tpu.memory_space<vmem>>) dst(%dma_wait3A_170 : memref<8x1024xf32, #tpu.memory_space<hbm>>)
    %rem3A_175 = arith.constant 126 : i32
    %rem3A_176 = arith.constant 8 : i32
    %rem3A_177 = arith.remsi %rem3A_175, %rem3A_176 : i32
    %add3A_178 = arith.constant 1008 : i32
    %add3A_179 = arith.addi %mul3A_2, %add3A_178 : i32
    %dma_wait3A_180 = arith.constant 0 : i32
    %dma_wait3A_181 = arith.constant 0 : i32
    %dma_wait3A_182 = tpu.memref_slice %arg8[%rem3A_177, %dma_wait3A_180, %dma_wait3A_181] : memref<8x8x1024xf32, #tpu.memory_space<vmem>> -> memref<1x8x1024xf32, #tpu.memory_space<vmem>>
    %dma_wait3A_183 = tpu.memref_squeeze %dma_wait3A_182 : memref<1x8x1024xf32, #tpu.memory_space<vmem>> -> memref<8x1024xf32, #tpu.memory_space<vmem>>
    %dma_wait3A_184 = arith.constant 0 : i32
    %dma_wait3A_185 = tpu.memref_slice %arg5[%add3A_179, %dma_wait3A_184] : memref<32768x1024xf32, #tpu.memory_space<hbm>> -> memref<8x1024xf32, #tpu.memory_space<hbm>>
    %dma_wait3A_186 = tpu.memref_slice %arg11[%rem3A_177] : memref<8x!tpu.dma_semaphore, #tpu.memory_space<semaphore_mem>> -> memref<1x!tpu.dma_semaphore, #tpu.memory_space<semaphore_mem>>
    %dma_wait3A_187 = tpu.memref_squeeze %dma_wait3A_186 : memref<1x!tpu.dma_semaphore, #tpu.memory_space<semaphore_mem>> -> memref<!tpu.dma_semaphore, #tpu.memory_space<semaphore_mem>>
    %dma_wait3A_188 = arith.constant 0 : i32
    %dma_wait3A_189 = tpu.memref_slice %arg5[%add3A_179, %dma_wait3A_188] : memref<32768x1024xf32, #tpu.memory_space<hbm>> -> memref<8x1024xf32, #tpu.memory_space<hbm>>
    %dma_wait3A_190 = arith.constant 0 : i32
    %dma_wait3A_191 = arith.constant 0 : i32
    %dma_wait3A_192 = tpu.memref_slice %arg8[%rem3A_177, %dma_wait3A_190, %dma_wait3A_191] : memref<8x8x1024xf32, #tpu.memory_space<vmem>> -> memref<1x8x1024xf32, #tpu.memory_space<vmem>>
    %dma_wait3A_193 = tpu.memref_squeeze %dma_wait3A_192 : memref<1x8x1024xf32, #tpu.memory_space<vmem>> -> memref<8x1024xf32, #tpu.memory_space<vmem>>
    tpu.wait_dma2 semaphore(%dma_wait3A_187 : memref<!tpu.dma_semaphore, #tpu.memory_space<semaphore_mem>>) src(%dma_wait3A_193 : memref<8x1024xf32, #tpu.memory_space<vmem>>) dst(%dma_wait3A_189 : memref<8x1024xf32, #tpu.memory_space<hbm>>)
    %rem3A_194 = arith.constant 127 : i32
    %rem3A_195 = arith.constant 8 : i32
    %rem3A_196 = arith.remsi %rem3A_194, %rem3A_195 : i32
    %add3A_197 = arith.constant 1016 : i32
    %add3A_198 = arith.addi %mul3A_2, %add3A_197 : i32
    %dma_wait3A_199 = arith.constant 0 : i32
    %dma_wait3A_200 = arith.constant 0 : i32
    %dma_wait3A_201 = tpu.memref_slice %arg8[%rem3A_196, %dma_wait3A_199, %dma_wait3A_200] : memref<8x8x1024xf32, #tpu.memory_space<vmem>> -> memref<1x8x1024xf32, #tpu.memory_space<vmem>>
    %dma_wait3A_202 = tpu.memref_squeeze %dma_wait3A_201 : memref<1x8x1024xf32, #tpu.memory_space<vmem>> -> memref<8x1024xf32, #tpu.memory_space<vmem>>
    %dma_wait3A_203 = arith.constant 0 : i32
    %dma_wait3A_204 = tpu.memref_slice %arg5[%add3A_198, %dma_wait3A_203] : memref<32768x1024xf32, #tpu.memory_space<hbm>> -> memref<8x1024xf32, #tpu.memory_space<hbm>>
    %dma_wait3A_205 = tpu.memref_slice %arg11[%rem3A_196] : memref<8x!tpu.dma_semaphore, #tpu.memory_space<semaphore_mem>> -> memref<1x!tpu.dma_semaphore, #tpu.memory_space<semaphore_mem>>
    %dma_wait3A_206 = tpu.memref_squeeze %dma_wait3A_205 : memref<1x!tpu.dma_semaphore, #tpu.memory_space<semaphore_mem>> -> memref<!tpu.dma_semaphore, #tpu.memory_space<semaphore_mem>>
    %dma_wait3A_207 = arith.constant 0 : i32
    %dma_wait3A_208 = tpu.memref_slice %arg5[%add3A_198, %dma_wait3A_207] : memref<32768x1024xf32, #tpu.memory_space<hbm>> -> memref<8x1024xf32, #tpu.memory_space<hbm>>
    %dma_wait3A_209 = arith.constant 0 : i32
    %dma_wait3A_210 = arith.constant 0 : i32
    %dma_wait3A_211 = tpu.memref_slice %arg8[%rem3A_196, %dma_wait3A_209, %dma_wait3A_210] : memref<8x8x1024xf32, #tpu.memory_space<vmem>> -> memref<1x8x1024xf32, #tpu.memory_space<vmem>>
    %dma_wait3A_212 = tpu.memref_squeeze %dma_wait3A_211 : memref<1x8x1024xf32, #tpu.memory_space<vmem>> -> memref<8x1024xf32, #tpu.memory_space<vmem>>
    tpu.wait_dma2 semaphore(%dma_wait3A_206 : memref<!tpu.dma_semaphore, #tpu.memory_space<semaphore_mem>>) src(%dma_wait3A_212 : memref<8x1024xf32, #tpu.memory_space<vmem>>) dst(%dma_wait3A_208 : memref<8x1024xf32, #tpu.memory_space<hbm>>)
    return
  }
}

</mosaic_0001>

<sc_bundles>
// kernel: kernel.3.cloned.1.call-start
scs
__scs_entry_jumppad:
0x0: {  	(pc) =	sbr.rel $0x88, $3  }
0x1: {  	(tag) =	ssettag $0x0;
	lr =	simm.s32 $0x1  }
0x2: {  	[smem:$0x3F9E] =	sst lr;
	_ =	strace $0xD0000000  }
0x3: {  	_ = 	snop  }
0x4: {  	_ = 	snop  }
0x5: {  	_ = 	snop  }
0x6: {  	_ = 	snop  }
0x7: {  	_ = 	snop  }
__scs_overlays_trampoline_lowered:
0x8: {  	[smem:$0x3FAD] =	sst s0  }
0x9: {  	[smem:$0x3FAE] =	sst s1  }
0xa: {  	[smem:$0x3FAF] =	sst s2  }
0xb: {  	[smem:$0x3FB0] =	sst s3  }
0xc: {  	[smem:$0x3FB1] =	sst s4  }
0xd: {  	[smem:$0x3FB2] =	sst s5  }
0xe: {  	[smem:$0x3FB3] =	sst s6  }
0xf: {  	[smem:$0x3FB4] =	sst s7  }
0x10: {  	[smem:$0x3FB5] =	sst s8  }
0x11: {  	[smem:$0x3FB6] =	sst s9;
	s0 =	simm.s32 @!p0 $0x0  }
0x12: {  	s1 =	sld [smem:$0x3F9C];
	s0 =	simm.s32 @p0 $0x1  }
0x13: {  	[smem:$0x3FB7] =	sst s0;
	s0 =	simm.s32 @!p1 $0x0  }
0x14: {  	s2 =	sld [smem:$0x3F9B];
	s0 =	simm.s32 @p1 $0x1  }
0x15: {  	[smem:$0x3FB8] =	sst s0;
	s0 =	simm.s32 @!p2 $0x0  }
0x16: {  	s3 =	sld [smem:$0x3FDB];
	s0 =	simm.s32 @p2 $0x1  }
0x17: {  	s4 =	simm.s32 $0x1BF5;
	[smem:$0x3FBA] =	sst s0  }
0x18: {  	s0 =	sld [smem:$0x3F9D];
	_ =	swait.ge [sflag:s4], $0x0  }
0x19: {  	s7 =	sld [smem:$0x3F9E]  }
0x1a: {  	s8 =	sadd.s32 $0xFFFFE003, lr  }
0x1b: {  	s9 =	sadd.s32 $0xFFFFFEF7, lr;
	s5 =	simm.s32 $0xFFFFFFFF;
	p2 =	slt.u32 s8, $0xFFFFF086  }
0x1c: {  	p1 =	slt.u32 s9, $0xF7A;
	s5 =	simm.s32 @!p2 $0x0  }
0x1d: {  	s5 =	simm.s32 @p1 $0x1;
	p0 =	seq.s32 s7, s2  }
0x1e: {  	s7 =	smul.u32 @!p0 $0xF7A, s2;
	p2 =	seq.s32 @!p0 s5, $0x0  }
0x1f: {  	s9 =	smul.u32 $0xF7A, s1;
	s8 =	simm.s32 @!p0 $0x1BF5;
	p2 =	por !p2, p0  }
0x20: {  	[sflag:s8] =	ssyncset.s32 @!p0 $0xFFFFF086;
	s6 =	sadd.s32 @!p0 s3, s7;
	s7 =	simm.s32 @!p0 $0x108  }
0x21: {  	s3 =	sadd.s32 s3, s9;
	s6 =	sadd.s32 @!p0 $0x88, s6;
	s7 =	simm.s32 @p2 $0x1082  }
0x22: {  	[simem:s7], [sflag:s8] =	dma.local @!p0 [hbm:s6], $0xF7A  }
0x23: {  	s9 =	sor.u32 $0xD0000000, s2;
	s6 =	simm.s32 $0x108;
	_ =	swait.ge @!p0 [sflag:s8], $0x0  }
0x24: {  	s3 =	sadd.s32 $0x88, s3;
	s6 =	simm.s32 @!p1 $0x1082;
	[sflag:s4] =	ssyncset.s32 $0xFFFFF086  }
0x25: {  	[simem:s6], [sflag:s4] =	dma.local [hbm:s3], $0xF7A  }
0x26: {  	[smem:$0x3F9E] =	sst s1;
	(tag) =	ssettag s2;
	_ =	strace s9  }
0x27: {  	s1 =	sld [smem:$0x3FAE]  }
0x28: {  	s2 =	sld [smem:$0x3FAF]  }
0x29: {  	s4 =	sld [smem:$0x3FB1]  }
0x2a: {  	p0 =	seq.s32 s5, $0x0;
	s5 =	sld [smem:$0x3FB2]  }
0x2b: {  	s6 =	sld [smem:$0x3FB3]  }
0x2c: {  	s7 =	sld [smem:$0x3FB4]  }
0x2d: {  	s3 =	simm.s32 $0x108;
	s8 =	sld [smem:$0x3FB5]  }
0x2e: {  	s3 =	simm.s32 @!p0 $0x1082;
	s9 =	sld [smem:$0x3FB6]  }
0x2f: {  	lr =	sadd.s32 s0, s3;
	s0 =	sld [smem:$0x3FAD]  }
0x30: {  	s3 =	sld [smem:$0x3FB0]  }
0x31: {  	[smem:$0x3FB9] =	sst s10  }
0x32: {  	s10 =	sld [smem:$0x3FB7];
	_ =	sdelay $0x3  }
0x33: {  	p0 =	seq.s32 s10, $0x1;
	s10 =	sld [smem:$0x3FB9];
	_ =	sdelay $0x3  }
0x34: {  	[smem:$0x3FB9] =	sst s10  }
0x35: {  	s10 =	sld [smem:$0x3FB8];
	_ =	sdelay $0x3  }
0x36: {  	p1 =	seq.s32 s10, $0x1;
	s10 =	sld [smem:$0x3FB9];
	_ =	sdelay $0x3  }
0x37: {  	[smem:$0x3FB9] =	sst s10  }
0x38: {  	s10 =	sld [smem:$0x3FBA]  }
0x39: {  	_ = 	snop;
	(pc) =	sbr.ind lr, $3  }
0x3a: {  	_ = 	snop  }
0x3b: {  	_ = 	snop  }
0x3c: {  	p2 =	seq.s32 s10, $0x1;
	s10 =	sld [smem:$0x3FB9]  }
0x3d: {  	_ =	shalt  }
0x3e: {  	_ =	shalt  }
0x3f: {  	_ =	shalt  }
0x40: {  	_ =	shalt  }
0x41: {  	_ =	shalt  }
0x42: {  	_ =	shalt  }
0x43: {  	_ =	shalt  }
0x44: {  	_ =	shalt  }
0x45: {  	_ =	shalt  }
0x46: {  	_ =	shalt  }
0x47: {  	_ =	shalt  }
0x48: {  	_ =	shalt  }
0x49: {  	_ =	shalt  }
0x4a: {  	_ =	shalt  }
0x4b: {  	_ =	shalt  }
0x4c: {  	_ =	shalt  }
0x4d: {  	_ =	shalt  }
0x4e: {  	_ =	shalt  }
0x4f: {  	_ =	shalt  }
0x50: {  	_ =	shalt  }
0x51: {  	_ =	shalt  }
0x52: {  	_ =	shalt  }
0x53: {  	_ =	shalt  }
0x54: {  	_ =	shalt  }
0x55: {  	_ =	shalt  }
0x56: {  	_ =	shalt  }
0x57: {  	_ =	shalt  }
0x58: {  	_ =	shalt  }
0x59: {  	_ =	shalt  }
0x5a: {  	_ =	shalt  }
0x5b: {  	_ =	shalt  }
0x5c: {  	_ =	shalt  }
0x5d: {  	_ =	shalt  }
0x5e: {  	_ =	shalt  }
0x5f: {  	_ =	shalt  }
0x60: {  	_ =	shalt  }
0x61: {  	_ =	shalt  }
0x62: {  	_ =	shalt  }
0x63: {  	_ =	shalt  }
0x64: {  	_ =	shalt  }
0x65: {  	_ =	shalt  }
0x66: {  	_ =	shalt  }
0x67: {  	_ =	shalt  }
0x68: {  	_ =	shalt  }
0x69: {  	_ =	shalt  }
0x6a: {  	_ =	shalt  }
0x6b: {  	_ =	shalt  }
0x6c: {  	_ =	shalt  }
0x6d: {  	_ =	shalt  }
0x6e: {  	_ =	shalt  }
0x6f: {  	_ =	shalt  }
0x70: {  	_ =	shalt  }
0x71: {  	_ =	shalt  }
0x72: {  	_ =	shalt  }
0x73: {  	_ =	shalt  }
0x74: {  	_ =	shalt  }
0x75: {  	_ =	shalt  }
0x76: {  	_ =	shalt  }
0x77: {  	_ =	shalt  }
0x78: {  	_ =	shalt  }
0x79: {  	_ =	shalt  }
0x7a: {  	_ =	shalt  }
0x7b: {  	_ =	shalt  }
0x7c: {  	_ =	shalt  }
0x7d: {  	_ =	shalt  }
0x7e: {  	_ =	shalt  }
0x7f: {  	_ =	shalt  }
0x80: {  	_ =	shalt  }
0x81: {  	_ =	shalt  }
0x82: {  	_ =	shalt  }
0x83: {  	_ =	shalt  }
0x84: {  	_ =	shalt  }
0x85: {  	_ =	shalt  }
0x86: {  	_ =	shalt  }
0x87: {  	_ =	shalt  }
.Lfunc_end0:
.L_simem_size_0:
called_computation_lowered:
.L_overlay_start_0:
0x88: {  	s2 =	sld [smem:$0x3FD9]  }
0x89: {  	s3 =	sld [smem:$0x3FFE];
	_ =	sdelay $0x1  }
0x8a: {  	s1 =	srdreg.scid  }
0x8b: {  	s0 =	sand.u32 $0x1, s1  }
0x8c: {  	s17 =	sshll.u32 s0, $0xA;
	s2 =	sadd.s32 s3, s2  }
0x8d: {  	s2 =	sadd.s32 s2, s17  }
0x8e: {  	[smem:$0x3FC5] =	sst s2  }
0x8f: {  	_ = 	snop  }
0x90: {  	s2 =	sld [smem:$0x3FC9]  }
0x91: {  	s18 =	sld [smem:$0x3FC7]  }
0x92: {  	s4 =	sld [smem:$0x3FD0];
	(tm) =	ssettm $0x1  }
0x93: {  	s5 =	sld [smem:$0x3FFB];
	_ =	sdelay $0x3  }
0x94: {  	_ =	strace s5  }
0x95: {  	s5 =	sld [smem:$0x3FFC];
	_ =	sdelay $0x3  }
0x96: {  	_ =	strace s5  }
0x97: {  	s5 =	sld [smem:$0x3FFD];
	_ =	sdelay $0x3  }
0x98: {  	_ =	strace s5  }
0x99: {  	_ =	strace $0x8FFFFFFF  }
0x9a: {  	s19 =	sld [smem:$0x3FDB];
	_ =	sdelay $0x1  }
0x9b: {  	s6 =	simm.s32 $_scs_section_size  }
0x9c: {  	s7 =	simm.s32 $_size__tile_overlayer_lowered;
	s8 =	simm.s32 $_tile_overlayer_lowered  }
0x9d: {  	s22 =	simm.s32 $0x1BFF;
	s21 =	sshll.u32 s8, $0x1;
	s5 =	sadd.s32 s6, s19  }
0x9e: {  	s9 =	simm.s32 $0x0;
	s20 =	sshll.u32 s7, $0x1;
	s7 =	sadd.s32 s21, s5  }
0x9f: {  	[timem:s9], [sflag:s22] =	dma.local [hbm:s7], s20  }
0xa0: {  	_ =	swait.ge [sflag:s22], s20  }
0xa1: {  	s6 =	ssub.s32 $0x0, s20;
	[sflag:s22] =	ssyncset.done $0x0  }
0xa2: {  	[sflag:s22] =	ssyncadd.s32 s6;
	_ =	sdelay $0x1  }
0xa3: {  	s23 =	simm.s32 $0x1B8B  }
0xa4: {  	_ =	swait.ge [sflag:s23], $0x1  }
0xa5: {  	[sflag:s23] =	ssyncset.done $0x0  }
0xa6: {  	s25 =	simm.s32 $0x1B8E;
	s24 =	sld [smem:$0x3FFE];
	[sflag:s23] =	ssyncadd.s32 $0xFFFFFFFF  }
0xa7: {  	s26 =	simm.s32 $execute0_lowered;
	[smem:$0x3FD2] =	sst s25  }
0xa8: {  	s7 =	sshll.u32 s26, $0x1;
	_ =	strace $0x80000046;
	[dreg:$0x1] =	wrdreg $0xFFFFFFFF  }
0xa9: {  	s28 =	simm.s32 $_size_execute0_lowered;
	s5 =	sadd.s32 s5, s7;
	[dreg:$0x0] =	wrdreg $0x0  }
0xaa: {  	s7 =	sshll.u32 s28, $0x1;
	[dreg:$0x2] =	wrdreg s5  }
0xab: {  	[dreg:$0x3] =	wrdreg s7  }
0xac: {  	[dreg:$0x4] =	wrdreg $0xC0  }
0xad: {  	_ =	task [dreg:s9], $0x5FFFF  }
0xae: {  	[dreg:$0x1] =	wrdreg $0xFFFFFFFF  }
0xaf: {  	[dreg:$0x0] =	wrdreg $0x60  }
0xb0: {  	[dreg:$0x2] =	wrdreg s2  }
0xb1: {  	[dreg:$0x3] =	wrdreg s24  }
0xb2: {  	[dreg:$0x4] =	wrdreg s18  }
0xb3: {  	[dreg:$0x5] =	wrdreg s4  }
0xb4: {  	[dreg:$0x6] =	wrdreg $0x9  }
0xb5: {  	_ =	task.clear_ibuf [dreg:s9], $0x7FFFF;
	_ =	strace $0x90000046  }
0xb6: {  	s29 =	simm.s32 $0x9;
	_ =	strace $0x80000048  }
0xb7: {  	_ =	swait.ge [sflag:s29], $0x1  }
0xb8: {  	[sflag:s29] =	ssyncadd.s32 $0xFFFFFFFF  }
0xb9: {  	_ =	strace $0x90000048  }
0xba: {  	_ =	sfence  }
0xbb: {  	s30 =	sld [smem:$0x0];
	_ =	sdelay $0x2  }
0xbc: {  	s31 =	sshll.u32 s1, $0xD;
	s1 =	sshrl.u32 s1, $0x2  }
0xbd: {  	s3 =	sand.u32 $0x4000, s31;
	s1 =	sadd.s32 s1, s30  }
0xbe: {  	s0 =	sor.u32 s3, s0;
	s1 =	sshll.u32 s1, $0x11  }
0xbf: {  	s0 =	sor.u32 s1, s0  }
0xc0: {  	s0 =	sadd.s32 $0x8F2B, s0  }
0xc1: {  	[sflag:s0] =	ssyncadd.remote.s32 $0x1  }
0xc2: {  	_ =	sfence.sel $0xFFFF  }
0xc3: {  	[dreg:$0x0] =	wrdreg $0xFFFFFFFF;
	(pc) =	sbr.abs _section_cstart, $3  }
0xc4: {  	[dreg:$0x1] =	wrdreg $0xFFFFFFFF  }
0xc5: {  	_ =	task.clear_ibuf [dreg:s9], $0x2FFFF;
	_ =	strace $0x9FFFFFFF  }
0xc6: {  	(tm) =	ssettm $0x7FFFFFFF  }
0xc7: {  	_ =	shalt  }
tec
execute0_lowered:
.L_overlay_start_1:
0x0: {  	(tag) =	ssettag $0x1  }
0x1: {  	s0 =	rddreg [dreg:$0x0]  }
0x2: {  	s1 =	rddreg [dreg:$0x1]  }
0x3: {  	s3 =	rddreg [dreg:$0x2];
	s2 =	srdreg.scid  }
0x4: {  	s4 =	rddreg [dreg:$0x3];
	s5 =	stileid.u32;
	s17 =	simm.s32 $0x16  }
0x5: {  	s23 =	simm.s32 $0x12;
	s24 =	simm.s32 $0x13;
	s25 =	simm.s32 $0x14  }
0x6: {  	s26 =	simm.s32 $0x15;
	s28 =	simm.s32 $0x0;
	s2 =	sand.u32 $0x1, s2  }
0x7: {  	s6 =	sshll.u32 s5, $0xB;
	s5 =	simm.s32 $0x0;
	s9 =	sadd.s32 $0x100, s3  }
0x8: {  	s10 =	sadd.s32 $0x200, s3;
	s11 =	sadd.s32 $0x300, s3;
	s7 =	sshll.u32 s2, $0xA  }
0x9: {  	s2 =	ssub.s32 $0x2, s2;
	[smem:$0x7FF] =	sst s5;
	s6 =	sor.u32 s7, s6  }
0xa: {  	s8 =	sshrl.u32 s2, $0x1;
	_ =	strace $0x80000047;
	s7 =	sshrl.u32 s6, $0x3  }
0xb: {  	v0 =	vlaneseq.u32;
	s2 =	ssub.s32 s2, s8;
	s31 =	sshll.u32 s6, $0x7;
	s1 =	sadd.s32 s7, s1  }
0xc: {  	v1 =	vshrl.u32 v0, $0x3;
	s12 =	sadd.s32 s0, s31;
	s16 =	smax.u32 s2, $0x1;
	s8 =	sadd.s32 $0x400, s1  }
0xd: {  	vm0 =	vmmov $0xffff;
	v0 =	vand.u32 $0x7, v0;
	v1 =	vmul.u32 $0x8, v1;
	s13 =	sadd.s32 $0x400, s12;
	s14 =	sadd.s32 $0x800, s12;
	s15 =	sadd.s32 $0xC00, s12  }
.LBB2_1:
0xe: {  	[tilespmem:s5], [sflag:$0x16] =	stream.linear.gather [hbm4b:s8+s5], $0x400, $0x38;
	[tilespmem:$0x1A400] =	vst v63  }
0xf: {  	_ =	swait.ge [sflag:s17], $0x400  }
0x10: {  	[sflag:s17] =	ssyncset.done $0x0  }
0x11: {  	[sflag:s17] =	ssyncadd.s32 $0xFFFFFC00  }
0x12: {  	v2 =	vld.msk [tilespmem:$0x0], $0xff;
	_ =	sdelay $0x4  }
0x13: {  	v3 =	vshll.u32 v2, $0x3  }
0x14: {  	v2 =	vand.u32 $0x7, v2;
	v3 =	vand.u32 $0xFFFFFFC0, v3  }
0x15: {  	v2 =	vor.u32 v2, v3  }
0x16: {  	v2 =	vperm.xlane v2, v0;
	_ =	sdelay $0x1  }
0x17: {  	v2 =	vadd.s32 v1, v2;
	_ =	sdelay $0x3  }
0x18: {  	s1 =	simm.s32 $0x400  }
0x19: {  	[tilespmem:s1], [sflag:$0x1] =	stream.indirect_vreg.gather [hbm4b:s3+s5], $0x80, v2, vm0, $0xb8;
	[tilespmem:$0x1A400] =	vst v63  }
0x1a: {  	s22 =	simm.s32 $0xC00  }
0x1b: {  	[tilespmem:s22], [sflag:$0x1] =	stream.indirect_vreg.gather [hbm4b:s9+s5], $0x80, v2, vm0, $0xb8;
	[tilespmem:$0x1A400] =	vst v63  }
0x1c: {  	s30 =	simm.s32 $0x1400  }
0x1d: {  	[tilespmem:s30], [sflag:$0x1] =	stream.indirect_vreg.gather [hbm4b:s10+s5], $0x80, v2, vm0, $0xb8;
	[tilespmem:$0x1A400] =	vst v63  }
0x1e: {  	s31 =	simm.s32 $0x1C00  }
0x1f: {  	[tilespmem:s31], [sflag:$0x1] =	stream.indirect_vreg.gather [hbm4b:s11+s5], $0x80, v2, vm0, $0xb8;
	[tilespmem:$0x1A400] =	vst v63  }
0x20: {  	s2 =	simm.s32 $0xA400  }
0x21: {  	[tilespmem:s2], [sflag:$0x6] =	stream.linear.gather [hbm4b:s12+s5], $0x2000, $0x38;
	[tilespmem:$0x1A400] =	vst v63  }
0x22: {  	v2 =	vld.msk [tilespmem:$0x8], $0xff;
	_ =	sdelay $0x4  }
0x23: {  	v3 =	vshll.u32 v2, $0x3  }
0x24: {  	v2 =	vand.u32 $0x7, v2;
	v3 =	vand.u32 $0xFFFFFFC0, v3  }
0x25: {  	v2 =	vor.u32 v2, v3  }
0x26: {  	v2 =	vperm.xlane v2, v0;
	_ =	sdelay $0x1  }
0x27: {  	v2 =	vadd.s32 v1, v2;
	_ =	sdelay $0x3  }
0x28: {  	s18 =	simm.s32 $0x2400  }
0x29: {  	[tilespmem:s18], [sflag:$0x2] =	stream.indirect_vreg.gather [hbm4b:s3+s5], $0x80, v2, vm0, $0xb8;
	[tilespmem:$0x1A400] =	vst v63  }
0x2a: {  	s19 =	simm.s32 $0x2C00  }
0x2b: {  	[tilespmem:s19], [sflag:$0x2] =	stream.indirect_vreg.gather [hbm4b:s9+s5], $0x80, v2, vm0, $0xb8;
	[tilespmem:$0x1A400] =	vst v63  }
0x2c: {  	s20 =	simm.s32 $0x3400  }
0x2d: {  	[tilespmem:s20], [sflag:$0x2] =	stream.indirect_vreg.gather [hbm4b:s10+s5], $0x80, v2, vm0, $0xb8;
	[tilespmem:$0x1A400] =	vst v63  }
0x2e: {  	s21 =	simm.s32 $0x3C00  }
0x2f: {  	[tilespmem:s21], [sflag:$0x2] =	stream.indirect_vreg.gather [hbm4b:s11+s5], $0x80, v2, vm0, $0xb8;
	[tilespmem:$0x1A400] =	vst v63  }
0x30: {  	s22 =	simm.s32 $0xC400  }
0x31: {  	[tilespmem:s22], [sflag:$0x7] =	stream.linear.gather [hbm4b:s13+s5], $0x2000, $0x38;
	[tilespmem:$0x1A400] =	vst v63  }
0x32: {  	v2 =	vld.msk [tilespmem:$0x10], $0xff;
	_ =	sdelay $0x4  }
0x33: {  	v3 =	vshll.u32 v2, $0x3  }
0x34: {  	v2 =	vand.u32 $0x7, v2;
	v3 =	vand.u32 $0xFFFFFFC0, v3  }
0x35: {  	v2 =	vor.u32 v2, v3  }
0x36: {  	v2 =	vperm.xlane v2, v0;
	_ =	sdelay $0x1  }
0x37: {  	v2 =	vadd.s32 v1, v2;
	_ =	sdelay $0x3  }
0x38: {  	s30 =	simm.s32 $0x4400  }
0x39: {  	[tilespmem:s30], [sflag:$0x3] =	stream.indirect_vreg.gather [hbm4b:s3+s5], $0x80, v2, vm0, $0xb8;
	[tilespmem:$0x1A400] =	vst v63  }
0x3a: {  	s31 =	simm.s32 $0x4C00  }
0x3b: {  	[tilespmem:s31], [sflag:$0x3] =	stream.indirect_vreg.gather [hbm4b:s9+s5], $0x80, v2, vm0, $0xb8;
	[tilespmem:$0x1A400] =	vst v63  }
0x3c: {  	s2 =	simm.s32 $0x5400  }
0x3d: {  	[tilespmem:s2], [sflag:$0x3] =	stream.indirect_vreg.gather [hbm4b:s10+s5], $0x80, v2, vm0, $0xb8;
	[tilespmem:$0x1A400] =	vst v63  }
0x3e: {  	s18 =	simm.s32 $0x5C00  }
0x3f: {  	[tilespmem:s18], [sflag:$0x3] =	stream.indirect_vreg.gather [hbm4b:s11+s5], $0x80, v2, vm0, $0xb8;
	[tilespmem:$0x1A400] =	vst v63  }
0x40: {  	s19 =	simm.s32 $0xE400  }
0x41: {  	[tilespmem:s19], [sflag:$0x8] =	stream.linear.gather [hbm4b:s14+s5], $0x2000, $0x38;
	[tilespmem:$0x1A400] =	vst v63  }
0x42: {  	v2 =	vld.msk [tilespmem:$0x18], $0xff;
	_ =	sdelay $0x4  }
0x43: {  	v3 =	vshll.u32 v2, $0x3  }
0x44: {  	v2 =	vand.u32 $0x7, v2;
	v3 =	vand.u32 $0xFFFFFFC0, v3  }
0x45: {  	v2 =	vor.u32 v2, v3  }
0x46: {  	v2 =	vperm.xlane v2, v0;
	_ =	sdelay $0x1  }
0x47: {  	v2 =	vadd.s32 v1, v2;
	_ =	sdelay $0x3  }
0x48: {  	s20 =	simm.s32 $0x6400  }
0x49: {  	[tilespmem:s20], [sflag:$0x4] =	stream.indirect_vreg.gather [hbm4b:s3+s5], $0x80, v2, vm0, $0xb8;
	[tilespmem:$0x1A400] =	vst v63  }
0x4a: {  	s21 =	simm.s32 $0x6C00  }
0x4b: {  	[tilespmem:s21], [sflag:$0x4] =	stream.indirect_vreg.gather [hbm4b:s9+s5], $0x80, v2, vm0, $0xb8;
	[tilespmem:$0x1A400] =	vst v63  }
0x4c: {  	s22 =	simm.s32 $0x7400  }
0x4d: {  	[tilespmem:s22], [sflag:$0x4] =	stream.indirect_vreg.gather [hbm4b:s10+s5], $0x80, v2, vm0, $0xb8;
	[tilespmem:$0x1A400] =	vst v63  }
0x4e: {  	s30 =	simm.s32 $0x7C00  }
0x4f: {  	[tilespmem:s30], [sflag:$0x4] =	stream.indirect_vreg.gather [hbm4b:s11+s5], $0x80, v2, vm0, $0xb8;
	[tilespmem:$0x1A400] =	vst v63  }
0x50: {  	s29 =	simm.s32 $0x0;
	s31 =	simm.s32 $0x10400  }
0x51: {  	[tilespmem:s31], [sflag:$0x9] =	stream.linear.gather [hbm4b:s15+s5], $0x2000, $0x38;
	[tilespmem:$0x1A400] =	vst v63  }
.LBB2_2:
0x52: {  	p0 =	slt.u32 s29, $0x4  }
0x53: {  	p1 =	sgt.u32 @!p0 s29, $0x7B  }
0x54: {  	s30 =	sand.u32 @!p0 $0x7, s29;
	p1 =	por p0, !p1  }
.Ltmp0:
0x55: {  	s1 =	sxor.u32 @!p0 $0x4, s30;
	(pc) =	sbr.rel @!p1 .LBB2_4-.Ltmp0, $4  }
0x56: {  	s1 =	sadd.s32 @!p0 $0xE, s1  }
0x57: {  	_ =	swait.ge @!p0 [sflag:s1], $0x2000  }
0x58: {  	[sflag:s1] =	ssyncset.done @!p0 $0x0  }
0x59: {  	[sflag:s1] =	ssyncadd.s32 @!p0 $0xFFFFE000  }
0x5a: {  	s1 =	sadd.s32 $0x4, s29  }
0x5b: {  	s2 =	sshll.u32 s1, $0x3  }
0x5c: {  	v2 =	vld.msk [tilespmem:s2+$0x0], $0xff;
	_ =	sdelay $0x4  }
0x5d: {  	s18 =	smul.u32 $0xCD, s1;
	v3 =	vshll.u32 v2, $0x3  }
0x5e: {  	v2 =	vand.u32 $0x7, v2;
	v3 =	vand.u32 $0xFFFFFFC0, v3  }
0x5f: {  	s18 =	sshrl.u32 s18, $0xA;
	v2 =	vor.u32 v2, v3  }
0x60: {  	s18 =	sand.u32 $0x3F, s18;
	v2 =	vperm.xlane v2, v0  }
0x61: {  	s18 =	smul.u32 $0x5, s18  }
0x62: {  	v2 =	vadd.s32 v1, v2  }
0x63: {  	s18 =	ssub.s32 s1, s18  }
0x64: {  	s18 =	sand.u32 $0xFF, s18  }
0x65: {  	s19 =	sshll.u32 s18, $0xD  }
0x66: {  	s18 =	sadd.s32 $0x1, s18;
	s20 =	sor.u32 $0x400, s19  }
0x67: {  	[tilespmem:s20], [sflag:s18] =	stream.indirect_vreg.gather [hbm4b:s3+s5], $0x80, v2, vm0, $0xb8;
	[tilespmem:$0x1A400] =	vst v63  }
0x68: {  	s30 =	smov.u32 @p0 s29;
	s21 =	sor.u32 $0xC00, s19  }
0x69: {  	[tilespmem:s21], [sflag:s18] =	stream.indirect_vreg.gather [hbm4b:s9+s5], $0x80, v2, vm0, $0xb8;
	[tilespmem:$0x1A400] =	vst v63  }
0x6a: {  	s2 =	sadd.s32 s6, s2;
	s1 =	sand.u32 $0x7, s1;
	s22 =	sor.u32 $0x1400, s19  }
0x6b: {  	[tilespmem:s22], [sflag:s18] =	stream.indirect_vreg.gather [hbm4b:s10+s5], $0x80, v2, vm0, $0xb8;
	[tilespmem:$0x1A400] =	vst v63  }
0x6c: {  	s2 =	sshll.u32 s2, $0x7;
	s31 =	sshll.u32 s1, $0xD;
	s19 =	sor.u32 $0x1C00, s19  }
0x6d: {  	[tilespmem:s19], [sflag:s18] =	stream.indirect_vreg.gather [hbm4b:s11+s5], $0x80, v2, vm0, $0xb8;
	[tilespmem:$0x1A400] =	vst v63  }
0x6e: {  	s2 =	sadd.s32 s0, s2;
	s1 =	sadd.s32 $0x6, s1;
	s18 =	sadd.s32 $0xA400, s31  }
0x6f: {  	[tilespmem:s18], [sflag:s1] =	stream.linear.gather [hbm4b:s2+s5], $0x2000, $0x38;
	[tilespmem:$0x1A400] =	vst v63  }
.LBB2_4:
0x70: {  	s1 =	smul.u32 $0xCD, s29;
	_ =	sdelay $0x1  }
0x71: {  	s1 =	sshrl.u32 s1, $0xA  }
0x72: {  	s1 =	sand.u32 $0x3F, s1  }
0x73: {  	s1 =	smul.u32 $0x5, s1;
	_ =	sdelay $0x1  }
0x74: {  	s1 =	ssub.s32 s29, s1  }
0x75: {  	s1 =	sand.u32 $0xFF, s1  }
0x76: {  	s2 =	sadd.s32 $0x1, s1;
	s1 =	sshll.u32 s1, $0xD  }
0x77: {  	_ =	swait.ge [sflag:s2], $0x2000;
	s1 =	sor.u32 $0x400, s1  }
0x78: {  	[sflag:s2] =	ssyncset.done $0x0;
	v2 =	vmov s1  }
0x79: {  	s21 =	sadd.s32 $0x6, s30;
	[sflag:s2] =	ssyncadd.s32 $0xFFFFE000  }
0x7a: {  	s18 =	sshll.u32 s30, $0xD;
	_ =	swait.ge [sflag:s21], $0x2000  }
0x7b: {  	p0 =	por $0x1, $0x1;
	s22 =	sand.u32 $0x3FFFE000, s18;
	[sflag:s21] =	ssyncset.done $0x0  }
0x7c: {  	s18 =	simm.s32 $0x0;
	s31 =	sadd.s32 $0xA400, s22;
	[sflag:s21] =	ssyncadd.s32 $0xFFFFE000  }
.LBB2_5:
0x7d: {  	v3 =	vld.idx.msk [tilespmem:v2+s18+$0x0 ss:$0x1], $0xffff;
	_ =	sdelay $0x3  }
0x7e: {  	s1 =	sadd.s32 s18, s31  }
0x7f: {  	[tilespmem:s1+$0x0] =	vst.add.f32.msk $0xffff, v3  }
0x80: {  	v3 =	vld.idx.msk [tilespmem:v2+s18+$0x10 ss:$0x1], $0xffff;
	_ =	sdelay $0x4  }
0x81: {  	[tilespmem:s1+$0x10] =	vst.add.f32.msk $0xffff, v3  }
0x82: {  	v3 =	vld.idx.msk [tilespmem:v2+s18+$0x20 ss:$0x1], $0xffff;
	_ =	sdelay $0x4  }
0x83: {  	[tilespmem:s1+$0x20] =	vst.add.f32.msk $0xffff, v3  }
0x84: {  	v3 =	vld.idx.msk [tilespmem:v2+s18+$0x30 ss:$0x1], $0xffff;
	_ =	sdelay $0x4  }
0x85: {  	[tilespmem:s1+$0x30] =	vst.add.f32.msk $0xffff, v3  }
0x86: {  	v3 =	vld.idx.msk [tilespmem:v2+s18+$0x40 ss:$0x1], $0xffff;
	_ =	sdelay $0x4  }
0x87: {  	[tilespmem:s1+$0x40] =	vst.add.f32.msk $0xffff, v3  }
0x88: {  	v3 =	vld.idx.msk [tilespmem:v2+s18+$0x50 ss:$0x1], $0xffff;
	_ =	sdelay $0x4  }
0x89: {  	[tilespmem:s1+$0x50] =	vst.add.f32.msk $0xffff, v3  }
0x8a: {  	v3 =	vld.idx.msk [tilespmem:v2+s18+$0x60 ss:$0x1], $0xffff;
	_ =	sdelay $0x4  }
0x8b: {  	[tilespmem:s1+$0x60] =	vst.add.f32.msk $0xffff, v3  }
0x8c: {  	v3 =	vld.idx.msk [tilespmem:v2+s18+$0x70 ss:$0x1], $0xffff;
	_ =	sdelay $0x4  }
0x8d: {  	[tilespmem:s1+$0x70] =	vst.add.f32.msk $0xffff, v3  }
0x8e: {  	v3 =	vld.idx.msk [tilespmem:v2+s18+$0x400 ss:$0x1], $0xffff;
	_ =	sdelay $0x4  }
0x8f: {  	[tilespmem:s1+$0x400] =	vst.add.f32.msk $0xffff, v3  }
0x90: {  	v3 =	vld.idx.msk [tilespmem:v2+s18+$0x410 ss:$0x1], $0xffff;
	_ =	sdelay $0x4  }
0x91: {  	[tilespmem:s1+$0x410] =	vst.add.f32.msk $0xffff, v3  }
0x92: {  	v3 =	vld.idx.msk [tilespmem:v2+s18+$0x420 ss:$0x1], $0xffff;
	_ =	sdelay $0x4  }
0x93: {  	[tilespmem:s1+$0x420] =	vst.add.f32.msk $0xffff, v3  }
0x94: {  	v3 =	vld.idx.msk [tilespmem:v2+s18+$0x430 ss:$0x1], $0xffff;
	_ =	sdelay $0x4  }
0x95: {  	[tilespmem:s1+$0x430] =	vst.add.f32.msk $0xffff, v3  }
0x96: {  	v3 =	vld.idx.msk [tilespmem:v2+s18+$0x440 ss:$0x1], $0xffff;
	_ =	sdelay $0x4  }
0x97: {  	[tilespmem:s1+$0x440] =	vst.add.f32.msk $0xffff, v3  }
0x98: {  	v3 =	vld.idx.msk [tilespmem:v2+s18+$0x450 ss:$0x1], $0xffff;
	_ =	sdelay $0x4  }
0x99: {  	[tilespmem:s1+$0x450] =	vst.add.f32.msk $0xffff, v3  }
0x9a: {  	v3 =	vld.idx.msk [tilespmem:v2+s18+$0x460 ss:$0x1], $0xffff;
	_ =	sdelay $0x4  }
0x9b: {  	[tilespmem:s1+$0x460] =	vst.add.f32.msk $0xffff, v3  }
0x9c: {  	v3 =	vld.idx.msk [tilespmem:v2+s18+$0x470 ss:$0x1], $0xffff;
	_ =	sdelay $0x4  }
0x9d: {  	[tilespmem:s1+$0x470] =	vst.add.f32.msk $0xffff, v3  }
0x9e: {  	v3 =	vld.idx.msk [tilespmem:v2+s18+$0x800 ss:$0x1], $0xffff;
	_ =	sdelay $0x4  }
0x9f: {  	[tilespmem:s1+$0x800] =	vst.add.f32.msk $0xffff, v3  }
0xa0: {  	v3 =	vld.idx.msk [tilespmem:v2+s18+$0x810 ss:$0x1], $0xffff;
	_ =	sdelay $0x4  }
0xa1: {  	[tilespmem:s1+$0x810] =	vst.add.f32.msk $0xffff, v3  }
0xa2: {  	v3 =	vld.idx.msk [tilespmem:v2+s18+$0x820 ss:$0x1], $0xffff;
	_ =	sdelay $0x4  }
0xa3: {  	[tilespmem:s1+$0x820] =	vst.add.f32.msk $0xffff, v3  }
0xa4: {  	v3 =	vld.idx.msk [tilespmem:v2+s18+$0x830 ss:$0x1], $0xffff;
	_ =	sdelay $0x4  }
0xa5: {  	[tilespmem:s1+$0x830] =	vst.add.f32.msk $0xffff, v3  }
0xa6: {  	v3 =	vld.idx.msk [tilespmem:v2+s18+$0x840 ss:$0x1], $0xffff;
	_ =	sdelay $0x4  }
0xa7: {  	[tilespmem:s1+$0x840] =	vst.add.f32.msk $0xffff, v3  }
0xa8: {  	v3 =	vld.idx.msk [tilespmem:v2+s18+$0x850 ss:$0x1], $0xffff;
	_ =	sdelay $0x4  }
0xa9: {  	[tilespmem:s1+$0x850] =	vst.add.f32.msk $0xffff, v3  }
0xaa: {  	v3 =	vld.idx.msk [tilespmem:v2+s18+$0x860 ss:$0x1], $0xffff;
	_ =	sdelay $0x4  }
0xab: {  	[tilespmem:s1+$0x860] =	vst.add.f32.msk $0xffff, v3  }
0xac: {  	v3 =	vld.idx.msk [tilespmem:v2+s18+$0x870 ss:$0x1], $0xffff;
	_ =	sdelay $0x4  }
0xad: {  	[tilespmem:s1+$0x870] =	vst.add.f32.msk $0xffff, v3  }
0xae: {  	v3 =	vld.idx.msk [tilespmem:v2+s18+$0xC00 ss:$0x1], $0xffff;
	_ =	sdelay $0x4  }
0xaf: {  	[tilespmem:s1+$0xC00] =	vst.add.f32.msk $0xffff, v3  }
0xb0: {  	v3 =	vld.idx.msk [tilespmem:v2+s18+$0xC10 ss:$0x1], $0xffff;
	_ =	sdelay $0x4  }
0xb1: {  	[tilespmem:s1+$0xC10] =	vst.add.f32.msk $0xffff, v3  }
0xb2: {  	v3 =	vld.idx.msk [tilespmem:v2+s18+$0xC20 ss:$0x1], $0xffff;
	_ =	sdelay $0x4  }
0xb3: {  	[tilespmem:s1+$0xC20] =	vst.add.f32.msk $0xffff, v3  }
0xb4: {  	v3 =	vld.idx.msk [tilespmem:v2+s18+$0xC30 ss:$0x1], $0xffff;
	_ =	sdelay $0x4  }
0xb5: {  	[tilespmem:s1+$0xC30] =	vst.add.f32.msk $0xffff, v3  }
0xb6: {  	v3 =	vld.idx.msk [tilespmem:v2+s18+$0xC40 ss:$0x1], $0xffff;
	_ =	sdelay $0x4  }
0xb7: {  	[tilespmem:s1+$0xC40] =	vst.add.f32.msk $0xffff, v3  }
0xb8: {  	v3 =	vld.idx.msk [tilespmem:v2+s18+$0xC50 ss:$0x1], $0xffff;
	_ =	sdelay $0x4  }
0xb9: {  	[tilespmem:s1+$0xC50] =	vst.add.f32.msk $0xffff, v3  }
0xba: {  	v3 =	vld.idx.msk [tilespmem:v2+s18+$0xC60 ss:$0x1], $0xffff;
	_ =	sdelay $0x4  }
0xbb: {  	[tilespmem:s1+$0xC60] =	vst.add.f32.msk $0xffff, v3  }
0xbc: {  	v3 =	vld.idx.msk [tilespmem:v2+s18+$0xC70 ss:$0x1], $0xffff;
	_ =	sdelay $0x4  }
0xbd: {  	[tilespmem:s1+$0xC70] =	vst.add.f32.msk $0xffff, v3  }
0xbe: {  	v3 =	vld.idx.msk [tilespmem:v2+s18+$0x1000 ss:$0x1], $0xffff;
	_ =	sdelay $0x4  }
0xbf: {  	[tilespmem:s1+$0x1000] =	vst.add.f32.msk $0xffff, v3  }
0xc0: {  	v3 =	vld.idx.msk [tilespmem:v2+s18+$0x1010 ss:$0x1], $0xffff;
	_ =	sdelay $0x4  }
0xc1: {  	[tilespmem:s1+$0x1010] =	vst.add.f32.msk $0xffff, v3  }
0xc2: {  	v3 =	vld.idx.msk [tilespmem:v2+s18+$0x1020 ss:$0x1], $0xffff;
	_ =	sdelay $0x4  }
0xc3: {  	[tilespmem:s1+$0x1020] =	vst.add.f32.msk $0xffff, v3  }
0xc4: {  	v3 =	vld.idx.msk [tilespmem:v2+s18+$0x1030 ss:$0x1], $0xffff;
	_ =	sdelay $0x4  }
0xc5: {  	[tilespmem:s1+$0x1030] =	vst.add.f32.msk $0xffff, v3  }
0xc6: {  	v3 =	vld.idx.msk [tilespmem:v2+s18+$0x1040 ss:$0x1], $0xffff;
	_ =	sdelay $0x4  }
0xc7: {  	[tilespmem:s1+$0x1040] =	vst.add.f32.msk $0xffff, v3  }
0xc8: {  	v3 =	vld.idx.msk [tilespmem:v2+s18+$0x1050 ss:$0x1], $0xffff;
	_ =	sdelay $0x4  }
0xc9: {  	[tilespmem:s1+$0x1050] =	vst.add.f32.msk $0xffff, v3  }
0xca: {  	v3 =	vld.idx.msk [tilespmem:v2+s18+$0x1060 ss:$0x1], $0xffff;
	_ =	sdelay $0x4  }
0xcb: {  	[tilespmem:s1+$0x1060] =	vst.add.f32.msk $0xffff, v3  }
0xcc: {  	v3 =	vld.idx.msk [tilespmem:v2+s18+$0x1070 ss:$0x1], $0xffff;
	_ =	sdelay $0x4  }
0xcd: {  	[tilespmem:s1+$0x1070] =	vst.add.f32.msk $0xffff, v3  }
0xce: {  	v3 =	vld.idx.msk [tilespmem:v2+s18+$0x1400 ss:$0x1], $0xffff;
	_ =	sdelay $0x4  }
0xcf: {  	[tilespmem:s1+$0x1400] =	vst.add.f32.msk $0xffff, v3  }
0xd0: {  	v3 =	vld.idx.msk [tilespmem:v2+s18+$0x1410 ss:$0x1], $0xffff;
	_ =	sdelay $0x4  }
0xd1: {  	[tilespmem:s1+$0x1410] =	vst.add.f32.msk $0xffff, v3  }
0xd2: {  	v3 =	vld.idx.msk [tilespmem:v2+s18+$0x1420 ss:$0x1], $0xffff;
	_ =	sdelay $0x4  }
0xd3: {  	[tilespmem:s1+$0x1420] =	vst.add.f32.msk $0xffff, v3  }
0xd4: {  	v3 =	vld.idx.msk [tilespmem:v2+s18+$0x1430 ss:$0x1], $0xffff;
	_ =	sdelay $0x4  }
0xd5: {  	[tilespmem:s1+$0x1430] =	vst.add.f32.msk $0xffff, v3  }
0xd6: {  	v3 =	vld.idx.msk [tilespmem:v2+s18+$0x1440 ss:$0x1], $0xffff;
	_ =	sdelay $0x4  }
0xd7: {  	[tilespmem:s1+$0x1440] =	vst.add.f32.msk $0xffff, v3  }
0xd8: {  	v3 =	vld.idx.msk [tilespmem:v2+s18+$0x1450 ss:$0x1], $0xffff;
	_ =	sdelay $0x4  }
0xd9: {  	[tilespmem:s1+$0x1450] =	vst.add.f32.msk $0xffff, v3  }
0xda: {  	v3 =	vld.idx.msk [tilespmem:v2+s18+$0x1460 ss:$0x1], $0xffff;
	_ =	sdelay $0x4  }
0xdb: {  	[tilespmem:s1+$0x1460] =	vst.add.f32.msk $0xffff, v3  }
0xdc: {  	v3 =	vld.idx.msk [tilespmem:v2+s18+$0x1470 ss:$0x1], $0xffff;
	_ =	sdelay $0x4  }
0xdd: {  	[tilespmem:s1+$0x1470] =	vst.add.f32.msk $0xffff, v3  }
0xde: {  	v3 =	vld.idx.msk [tilespmem:v2+s18+$0x1800 ss:$0x1], $0xffff;
	_ =	sdelay $0x4  }
0xdf: {  	[tilespmem:s1+$0x1800] =	vst.add.f32.msk $0xffff, v3  }
0xe0: {  	v3 =	vld.idx.msk [tilespmem:v2+s18+$0x1810 ss:$0x1], $0xffff;
	_ =	sdelay $0x4  }
0xe1: {  	[tilespmem:s1+$0x1810] =	vst.add.f32.msk $0xffff, v3  }
0xe2: {  	v3 =	vld.idx.msk [tilespmem:v2+s18+$0x1820 ss:$0x1], $0xffff;
	_ =	sdelay $0x4  }
0xe3: {  	[tilespmem:s1+$0x1820] =	vst.add.f32.msk $0xffff, v3  }
0xe4: {  	v3 =	vld.idx.msk [tilespmem:v2+s18+$0x1830 ss:$0x1], $0xffff;
	_ =	sdelay $0x4  }
0xe5: {  	[tilespmem:s1+$0x1830] =	vst.add.f32.msk $0xffff, v3  }
0xe6: {  	v3 =	vld.idx.msk [tilespmem:v2+s18+$0x1840 ss:$0x1], $0xffff;
	_ =	sdelay $0x4  }
0xe7: {  	[tilespmem:s1+$0x1840] =	vst.add.f32.msk $0xffff, v3  }
0xe8: {  	v3 =	vld.idx.msk [tilespmem:v2+s18+$0x1850 ss:$0x1], $0xffff;
	_ =	sdelay $0x4  }
0xe9: {  	[tilespmem:s1+$0x1850] =	vst.add.f32.msk $0xffff, v3  }
0xea: {  	v3 =	vld.idx.msk [tilespmem:v2+s18+$0x1860 ss:$0x1], $0xffff;
	_ =	sdelay $0x4  }
0xeb: {  	[tilespmem:s1+$0x1860] =	vst.add.f32.msk $0xffff, v3  }
0xec: {  	v3 =	vld.idx.msk [tilespmem:v2+s18+$0x1870 ss:$0x1], $0xffff;
	_ =	sdelay $0x4  }
0xed: {  	[tilespmem:s1+$0x1870] =	vst.add.f32.msk $0xffff, v3  }
0xee: {  	v3 =	vld.idx.msk [tilespmem:v2+s18+$0x1C00 ss:$0x1], $0xffff;
	_ =	sdelay $0x4  }
0xef: {  	[tilespmem:s1+$0x1C00] =	vst.add.f32.msk $0xffff, v3  }
0xf0: {  	v3 =	vld.idx.msk [tilespmem:v2+s18+$0x1C10 ss:$0x1], $0xffff;
	_ =	sdelay $0x4  }
0xf1: {  	[tilespmem:s1+$0x1C10] =	vst.add.f32.msk $0xffff, v3  }
0xf2: {  	v3 =	vld.idx.msk [tilespmem:v2+s18+$0x1C20 ss:$0x1], $0xffff;
	_ =	sdelay $0x4  }
0xf3: {  	[tilespmem:s1+$0x1C20] =	vst.add.f32.msk $0xffff, v3  }
0xf4: {  	v3 =	vld.idx.msk [tilespmem:v2+s18+$0x1C30 ss:$0x1], $0xffff;
	_ =	sdelay $0x4  }
0xf5: {  	[tilespmem:s1+$0x1C30] =	vst.add.f32.msk $0xffff, v3  }
0xf6: {  	v3 =	vld.idx.msk [tilespmem:v2+s18+$0x1C40 ss:$0x1], $0xffff;
	_ =	sdelay $0x2  }
0xf7: {  	s19 =	sor.u32 $0x100, s18  }
0xf8: {  	v5 =	vld.idx.msk [tilespmem:v2+s19+$0x0 ss:$0x1], $0xffff  }
0xf9: {  	[tilespmem:s1+$0x1C40] =	vst.add.f32.msk $0xffff, v3  }
0xfa: {  	s2 =	sor.u32 $0x80, s18;
	v3 =	vld.idx.msk [tilespmem:v2+s18+$0x1C50 ss:$0x1], $0xffff  }
0xfb: {  	s20 =	sor.u32 $0x180, s18;
	v4 =	vld.idx.msk [tilespmem:v2+s2+$0x0 ss:$0x1], $0xffff  }
0xfc: {  	s21 =	sadd.s32 s19, s31;
	v6 =	vld.idx.msk [tilespmem:v2+s20+$0x0 ss:$0x1], $0xffff  }
0xfd: {  	[tilespmem:s21+$0x0] =	vst.add.f32.msk $0xffff, v5  }
0xfe: {  	v5 =	vld.idx.msk [tilespmem:v2+s19+$0x10 ss:$0x1], $0xffff  }
0xff: {  	[tilespmem:s1+$0x1C50] =	vst.add.f32.msk $0xffff, v3  }
0x100: {  	s22 =	sadd.s32 s20, s31;
	v3 =	vld.idx.msk [tilespmem:v2+s18+$0x1C60 ss:$0x1], $0xffff  }
0x101: {  	[tilespmem:s22+$0x0] =	vst.add.f32.msk $0xffff, v6  }
0x102: {  	v6 =	vld.idx.msk [tilespmem:v2+s20+$0x10 ss:$0x1], $0xffff  }
0x103: {  	[tilespmem:s21+$0x10] =	vst.add.f32.msk $0xffff, v5  }
0x104: {  	v5 =	vld.idx.msk [tilespmem:v2+s19+$0x20 ss:$0x1], $0xffff  }
0x105: {  	[tilespmem:s1+$0x1C60] =	vst.add.f32.msk $0xffff, v3  }
0x106: {  	v3 =	vld.idx.msk [tilespmem:v2+s18+$0x1C70 ss:$0x1], $0xffff;
	s18 =	sadd.s32 s2, s31  }
0x107: {  	[tilespmem:s18+$0x0] =	vst.add.f32.msk $0xffff, v4  }
0x108: {  	v4 =	vld.idx.msk [tilespmem:v2+s2+$0x10 ss:$0x1], $0xffff  }
0x109: {  	[tilespmem:s22+$0x10] =	vst.add.f32.msk $0xffff, v6  }
0x10a: {  	v6 =	vld.idx.msk [tilespmem:v2+s20+$0x20 ss:$0x1], $0xffff  }
0x10b: {  	[tilespmem:s21+$0x20] =	vst.add.f32.msk $0xffff, v5  }
0x10c: {  	v5 =	vld.idx.msk [tilespmem:v2+s19+$0x30 ss:$0x1], $0xffff  }
0x10d: {  	[tilespmem:s18+$0x10] =	vst.add.f32.msk $0xffff, v4  }
0x10e: {  	v4 =	vld.idx.msk [tilespmem:v2+s2+$0x20 ss:$0x1], $0xffff  }
0x10f: {  	[tilespmem:s22+$0x20] =	vst.add.f32.msk $0xffff, v6  }
0x110: {  	v6 =	vld.idx.msk [tilespmem:v2+s20+$0x30 ss:$0x1], $0xffff  }
0x111: {  	[tilespmem:s21+$0x30] =	vst.add.f32.msk $0xffff, v5  }
0x112: {  	v5 =	vld.idx.msk [tilespmem:v2+s19+$0x40 ss:$0x1], $0xffff  }
0x113: {  	[tilespmem:s18+$0x20] =	vst.add.f32.msk $0xffff, v4  }
0x114: {  	v4 =	vld.idx.msk [tilespmem:v2+s2+$0x30 ss:$0x1], $0xffff  }
0x115: {  	[tilespmem:s22+$0x30] =	vst.add.f32.msk $0xffff, v6  }
0x116: {  	v6 =	vld.idx.msk [tilespmem:v2+s20+$0x40 ss:$0x1], $0xffff  }
0x117: {  	[tilespmem:s21+$0x40] =	vst.add.f32.msk $0xffff, v5  }
0x118: {  	v5 =	vld.idx.msk [tilespmem:v2+s19+$0x50 ss:$0x1], $0xffff  }
0x119: {  	[tilespmem:s18+$0x30] =	vst.add.f32.msk $0xffff, v4  }
0x11a: {  	v4 =	vld.idx.msk [tilespmem:v2+s2+$0x40 ss:$0x1], $0xffff  }
0x11b: {  	[tilespmem:s22+$0x40] =	vst.add.f32.msk $0xffff, v6  }
0x11c: {  	v6 =	vld.idx.msk [tilespmem:v2+s20+$0x50 ss:$0x1], $0xffff  }
0x11d: {  	[tilespmem:s21+$0x50] =	vst.add.f32.msk $0xffff, v5  }
0x11e: {  	v5 =	vld.idx.msk [tilespmem:v2+s19+$0x60 ss:$0x1], $0xffff  }
0x11f: {  	[tilespmem:s18+$0x40] =	vst.add.f32.msk $0xffff, v4  }
0x120: {  	v4 =	vld.idx.msk [tilespmem:v2+s2+$0x50 ss:$0x1], $0xffff  }
0x121: {  	[tilespmem:s22+$0x50] =	vst.add.f32.msk $0xffff, v6  }
0x122: {  	v6 =	vld.idx.msk [tilespmem:v2+s20+$0x60 ss:$0x1], $0xffff  }
0x123: {  	[tilespmem:s21+$0x60] =	vst.add.f32.msk $0xffff, v5  }
0x124: {  	v5 =	vld.idx.msk [tilespmem:v2+s19+$0x70 ss:$0x1], $0xffff  }
0x125: {  	[tilespmem:s18+$0x50] =	vst.add.f32.msk $0xffff, v4  }
0x126: {  	v4 =	vld.idx.msk [tilespmem:v2+s2+$0x60 ss:$0x1], $0xffff  }
0x127: {  	[tilespmem:s22+$0x60] =	vst.add.f32.msk $0xffff, v6  }
0x128: {  	v6 =	vld.idx.msk [tilespmem:v2+s20+$0x70 ss:$0x1], $0xffff  }
0x129: {  	[tilespmem:s21+$0x70] =	vst.add.f32.msk $0xffff, v5  }
0x12a: {  	v5 =	vld.idx.msk [tilespmem:v2+s19+$0x400 ss:$0x1], $0xffff  }
0x12b: {  	[tilespmem:s18+$0x60] =	vst.add.f32.msk $0xffff, v4  }
0x12c: {  	v4 =	vld.idx.msk [tilespmem:v2+s2+$0x70 ss:$0x1], $0xffff  }
0x12d: {  	[tilespmem:s22+$0x70] =	vst.add.f32.msk $0xffff, v6  }
0x12e: {  	v6 =	vld.idx.msk [tilespmem:v2+s20+$0x400 ss:$0x1], $0xffff  }
0x12f: {  	[tilespmem:s21+$0x400] =	vst.add.f32.msk $0xffff, v5  }
0x130: {  	v5 =	vld.idx.msk [tilespmem:v2+s19+$0x410 ss:$0x1], $0xffff  }
0x131: {  	[tilespmem:s18+$0x70] =	vst.add.f32.msk $0xffff, v4  }
0x132: {  	v4 =	vld.idx.msk [tilespmem:v2+s2+$0x400 ss:$0x1], $0xffff  }
0x133: {  	[tilespmem:s22+$0x400] =	vst.add.f32.msk $0xffff, v6  }
0x134: {  	v6 =	vld.idx.msk [tilespmem:v2+s20+$0x410 ss:$0x1], $0xffff  }
0x135: {  	[tilespmem:s21+$0x410] =	vst.add.f32.msk $0xffff, v5  }
0x136: {  	v5 =	vld.idx.msk [tilespmem:v2+s19+$0x420 ss:$0x1], $0xffff  }
0x137: {  	[tilespmem:s18+$0x400] =	vst.add.f32.msk $0xffff, v4  }
0x138: {  	v4 =	vld.idx.msk [tilespmem:v2+s2+$0x410 ss:$0x1], $0xffff  }
0x139: {  	[tilespmem:s22+$0x410] =	vst.add.f32.msk $0xffff, v6  }
0x13a: {  	v6 =	vld.idx.msk [tilespmem:v2+s20+$0x420 ss:$0x1], $0xffff  }
0x13b: {  	[tilespmem:s21+$0x420] =	vst.add.f32.msk $0xffff, v5  }
0x13c: {  	v5 =	vld.idx.msk [tilespmem:v2+s19+$0x430 ss:$0x1], $0xffff  }
0x13d: {  	[tilespmem:s18+$0x410] =	vst.add.f32.msk $0xffff, v4  }
0x13e: {  	v4 =	vld.idx.msk [tilespmem:v2+s2+$0x420 ss:$0x1], $0xffff  }
0x13f: {  	[tilespmem:s22+$0x420] =	vst.add.f32.msk $0xffff, v6  }
0x140: {  	v6 =	vld.idx.msk [tilespmem:v2+s20+$0x430 ss:$0x1], $0xffff  }
0x141: {  	[tilespmem:s21+$0x430] =	vst.add.f32.msk $0xffff, v5  }
0x142: {  	v5 =	vld.idx.msk [tilespmem:v2+s19+$0x440 ss:$0x1], $0xffff  }
0x143: {  	[tilespmem:s18+$0x420] =	vst.add.f32.msk $0xffff, v4  }
0x144: {  	v4 =	vld.idx.msk [tilespmem:v2+s2+$0x430 ss:$0x1], $0xffff  }
0x145: {  	[tilespmem:s22+$0x430] =	vst.add.f32.msk $0xffff, v6  }
0x146: {  	v6 =	vld.idx.msk [tilespmem:v2+s20+$0x440 ss:$0x1], $0xffff  }
0x147: {  	[tilespmem:s21+$0x440] =	vst.add.f32.msk $0xffff, v5  }
0x148: {  	v5 =	vld.idx.msk [tilespmem:v2+s19+$0x450 ss:$0x1], $0xffff  }
0x149: {  	[tilespmem:s18+$0x430] =	vst.add.f32.msk $0xffff, v4  }
0x14a: {  	v4 =	vld.idx.msk [tilespmem:v2+s2+$0x440 ss:$0x1], $0xffff  }
0x14b: {  	[tilespmem:s22+$0x440] =	vst.add.f32.msk $0xffff, v6  }
0x14c: {  	v6 =	vld.idx.msk [tilespmem:v2+s20+$0x450 ss:$0x1], $0xffff  }
0x14d: {  	[tilespmem:s21+$0x450] =	vst.add.f32.msk $0xffff, v5  }
0x14e: {  	v5 =	vld.idx.msk [tilespmem:v2+s19+$0x460 ss:$0x1], $0xffff  }
0x14f: {  	[tilespmem:s18+$0x440] =	vst.add.f32.msk $0xffff, v4  }
0x150: {  	v4 =	vld.idx.msk [tilespmem:v2+s2+$0x450 ss:$0x1], $0xffff  }
0x151: {  	[tilespmem:s22+$0x450] =	vst.add.f32.msk $0xffff, v6  }
0x152: {  	v6 =	vld.idx.msk [tilespmem:v2+s20+$0x460 ss:$0x1], $0xffff  }
0x153: {  	[tilespmem:s21+$0x460] =	vst.add.f32.msk $0xffff, v5  }
0x154: {  	v5 =	vld.idx.msk [tilespmem:v2+s19+$0x470 ss:$0x1], $0xffff  }
0x155: {  	[tilespmem:s18+$0x450] =	vst.add.f32.msk $0xffff, v4  }
0x156: {  	v4 =	vld.idx.msk [tilespmem:v2+s2+$0x460 ss:$0x1], $0xffff  }
0x157: {  	[tilespmem:s22+$0x460] =	vst.add.f32.msk $0xffff, v6  }
0x158: {  	v6 =	vld.idx.msk [tilespmem:v2+s20+$0x470 ss:$0x1], $0xffff  }
0x159: {  	[tilespmem:s21+$0x470] =	vst.add.f32.msk $0xffff, v5  }
0x15a: {  	v5 =	vld.idx.msk [tilespmem:v2+s19+$0x800 ss:$0x1], $0xffff  }
0x15b: {  	[tilespmem:s18+$0x460] =	vst.add.f32.msk $0xffff, v4  }
0x15c: {  	v4 =	vld.idx.msk [tilespmem:v2+s2+$0x470 ss:$0x1], $0xffff  }
0x15d: {  	[tilespmem:s22+$0x470] =	vst.add.f32.msk $0xffff, v6  }
0x15e: {  	v6 =	vld.idx.msk [tilespmem:v2+s20+$0x800 ss:$0x1], $0xffff  }
0x15f: {  	[tilespmem:s21+$0x800] =	vst.add.f32.msk $0xffff, v5  }
0x160: {  	v5 =	vld.idx.msk [tilespmem:v2+s19+$0x810 ss:$0x1], $0xffff  }
0x161: {  	[tilespmem:s18+$0x470] =	vst.add.f32.msk $0xffff, v4  }
0x162: {  	v4 =	vld.idx.msk [tilespmem:v2+s2+$0x800 ss:$0x1], $0xffff  }
0x163: {  	[tilespmem:s22+$0x800] =	vst.add.f32.msk $0xffff, v6  }
0x164: {  	v6 =	vld.idx.msk [tilespmem:v2+s20+$0x810 ss:$0x1], $0xffff  }
0x165: {  	[tilespmem:s21+$0x810] =	vst.add.f32.msk $0xffff, v5  }
0x166: {  	v5 =	vld.idx.msk [tilespmem:v2+s19+$0x820 ss:$0x1], $0xffff  }
0x167: {  	[tilespmem:s18+$0x800] =	vst.add.f32.msk $0xffff, v4  }
0x168: {  	v4 =	vld.idx.msk [tilespmem:v2+s2+$0x810 ss:$0x1], $0xffff  }
0x169: {  	[tilespmem:s22+$0x810] =	vst.add.f32.msk $0xffff, v6  }
0x16a: {  	v6 =	vld.idx.msk [tilespmem:v2+s20+$0x820 ss:$0x1], $0xffff  }
0x16b: {  	[tilespmem:s21+$0x820] =	vst.add.f32.msk $0xffff, v5  }
0x16c: {  	v5 =	vld.idx.msk [tilespmem:v2+s19+$0x830 ss:$0x1], $0xffff  }
0x16d: {  	[tilespmem:s18+$0x810] =	vst.add.f32.msk $0xffff, v4  }
0x16e: {  	v4 =	vld.idx.msk [tilespmem:v2+s2+$0x820 ss:$0x1], $0xffff  }
0x16f: {  	[tilespmem:s22+$0x820] =	vst.add.f32.msk $0xffff, v6  }
0x170: {  	v6 =	vld.idx.msk [tilespmem:v2+s20+$0x830 ss:$0x1], $0xffff  }
0x171: {  	[tilespmem:s21+$0x830] =	vst.add.f32.msk $0xffff, v5  }
0x172: {  	v5 =	vld.idx.msk [tilespmem:v2+s19+$0x840 ss:$0x1], $0xffff  }
0x173: {  	[tilespmem:s18+$0x820] =	vst.add.f32.msk $0xffff, v4  }
0x174: {  	v4 =	vld.idx.msk [tilespmem:v2+s2+$0x830 ss:$0x1], $0xffff  }
0x175: {  	[tilespmem:s22+$0x830] =	vst.add.f32.msk $0xffff, v6  }
0x176: {  	v6 =	vld.idx.msk [tilespmem:v2+s20+$0x840 ss:$0x1], $0xffff  }
0x177: {  	[tilespmem:s21+$0x840] =	vst.add.f32.msk $0xffff, v5  }
0x178: {  	v5 =	vld.idx.msk [tilespmem:v2+s19+$0x850 ss:$0x1], $0xffff  }
0x179: {  	[tilespmem:s18+$0x830] =	vst.add.f32.msk $0xffff, v4  }
0x17a: {  	v4 =	vld.idx.msk [tilespmem:v2+s2+$0x840 ss:$0x1], $0xffff  }
0x17b: {  	[tilespmem:s22+$0x840] =	vst.add.f32.msk $0xffff, v6  }
0x17c: {  	v6 =	vld.idx.msk [tilespmem:v2+s20+$0x850 ss:$0x1], $0xffff  }
0x17d: {  	[tilespmem:s21+$0x850] =	vst.add.f32.msk $0xffff, v5  }
0x17e: {  	v5 =	vld.idx.msk [tilespmem:v2+s19+$0x860 ss:$0x1], $0xffff  }
0x17f: {  	[tilespmem:s18+$0x840] =	vst.add.f32.msk $0xffff, v4  }
0x180: {  	v4 =	vld.idx.msk [tilespmem:v2+s2+$0x850 ss:$0x1], $0xffff  }
0x181: {  	[tilespmem:s22+$0x850] =	vst.add.f32.msk $0xffff, v6  }
0x182: {  	v6 =	vld.idx.msk [tilespmem:v2+s20+$0x860 ss:$0x1], $0xffff  }
0x183: {  	[tilespmem:s21+$0x860] =	vst.add.f32.msk $0xffff, v5  }
0x184: {  	v5 =	vld.idx.msk [tilespmem:v2+s19+$0x870 ss:$0x1], $0xffff  }
0x185: {  	[tilespmem:s18+$0x850] =	vst.add.f32.msk $0xffff, v4  }
0x186: {  	v4 =	vld.idx.msk [tilespmem:v2+s2+$0x860 ss:$0x1], $0xffff  }
0x187: {  	[tilespmem:s22+$0x860] =	vst.add.f32.msk $0xffff, v6  }
0x188: {  	v6 =	vld.idx.msk [tilespmem:v2+s20+$0x870 ss:$0x1], $0xffff  }
0x189: {  	[tilespmem:s21+$0x870] =	vst.add.f32.msk $0xffff, v5  }
0x18a: {  	v5 =	vld.idx.msk [tilespmem:v2+s19+$0xC00 ss:$0x1], $0xffff  }
0x18b: {  	[tilespmem:s18+$0x860] =	vst.add.f32.msk $0xffff, v4  }
0x18c: {  	v4 =	vld.idx.msk [tilespmem:v2+s2+$0x870 ss:$0x1], $0xffff  }
0x18d: {  	[tilespmem:s22+$0x870] =	vst.add.f32.msk $0xffff, v6  }
0x18e: {  	v6 =	vld.idx.msk [tilespmem:v2+s20+$0xC00 ss:$0x1], $0xffff  }
0x18f: {  	[tilespmem:s21+$0xC00] =	vst.add.f32.msk $0xffff, v5  }
0x190: {  	v5 =	vld.idx.msk [tilespmem:v2+s19+$0xC10 ss:$0x1], $0xffff  }
0x191: {  	[tilespmem:s18+$0x870] =	vst.add.f32.msk $0xffff, v4  }
0x192: {  	v4 =	vld.idx.msk [tilespmem:v2+s2+$0xC00 ss:$0x1], $0xffff  }
0x193: {  	[tilespmem:s22+$0xC00] =	vst.add.f32.msk $0xffff, v6  }
0x194: {  	v6 =	vld.idx.msk [tilespmem:v2+s20+$0xC10 ss:$0x1], $0xffff  }
0x195: {  	[tilespmem:s21+$0xC10] =	vst.add.f32.msk $0xffff, v5  }
0x196: {  	v5 =	vld.idx.msk [tilespmem:v2+s19+$0xC20 ss:$0x1], $0xffff  }
0x197: {  	[tilespmem:s18+$0xC00] =	vst.add.f32.msk $0xffff, v4  }
0x198: {  	v4 =	vld.idx.msk [tilespmem:v2+s2+$0xC10 ss:$0x1], $0xffff  }
0x199: {  	[tilespmem:s22+$0xC10] =	vst.add.f32.msk $0xffff, v6  }
0x19a: {  	v6 =	vld.idx.msk [tilespmem:v2+s20+$0xC20 ss:$0x1], $0xffff  }
0x19b: {  	[tilespmem:s21+$0xC20] =	vst.add.f32.msk $0xffff, v5  }
0x19c: {  	v5 =	vld.idx.msk [tilespmem:v2+s19+$0xC30 ss:$0x1], $0xffff  }
0x19d: {  	[tilespmem:s18+$0xC10] =	vst.add.f32.msk $0xffff, v4  }
0x19e: {  	v4 =	vld.idx.msk [tilespmem:v2+s2+$0xC20 ss:$0x1], $0xffff  }
0x19f: {  	[tilespmem:s22+$0xC20] =	vst.add.f32.msk $0xffff, v6  }
0x1a0: {  	v6 =	vld.idx.msk [tilespmem:v2+s20+$0xC30 ss:$0x1], $0xffff  }
0x1a1: {  	[tilespmem:s21+$0xC30] =	vst.add.f32.msk $0xffff, v5  }
0x1a2: {  	v5 =	vld.idx.msk [tilespmem:v2+s19+$0xC40 ss:$0x1], $0xffff  }
0x1a3: {  	[tilespmem:s18+$0xC20] =	vst.add.f32.msk $0xffff, v4  }
0x1a4: {  	v4 =	vld.idx.msk [tilespmem:v2+s2+$0xC30 ss:$0x1], $0xffff  }
0x1a5: {  	[tilespmem:s22+$0xC30] =	vst.add.f32.msk $0xffff, v6  }
0x1a6: {  	v6 =	vld.idx.msk [tilespmem:v2+s20+$0xC40 ss:$0x1], $0xffff  }
0x1a7: {  	[tilespmem:s21+$0xC40] =	vst.add.f32.msk $0xffff, v5  }
0x1a8: {  	v5 =	vld.idx.msk [tilespmem:v2+s19+$0xC50 ss:$0x1], $0xffff  }
0x1a9: {  	[tilespmem:s18+$0xC30] =	vst.add.f32.msk $0xffff, v4  }
0x1aa: {  	v4 =	vld.idx.msk [tilespmem:v2+s2+$0xC40 ss:$0x1], $0xffff  }
0x1ab: {  	[tilespmem:s22+$0xC40] =	vst.add.f32.msk $0xffff, v6  }
0x1ac: {  	v6 =	vld.idx.msk [tilespmem:v2+s20+$0xC50 ss:$0x1], $0xffff  }
0x1ad: {  	[tilespmem:s21+$0xC50] =	vst.add.f32.msk $0xffff, v5  }
0x1ae: {  	v5 =	vld.idx.msk [tilespmem:v2+s19+$0xC60 ss:$0x1], $0xffff  }
0x1af: {  	[tilespmem:s18+$0xC40] =	vst.add.f32.msk $0xffff, v4  }
0x1b0: {  	v4 =	vld.idx.msk [tilespmem:v2+s2+$0xC50 ss:$0x1], $0xffff  }
0x1b1: {  	[tilespmem:s22+$0xC50] =	vst.add.f32.msk $0xffff, v6  }
0x1b2: {  	v6 =	vld.idx.msk [tilespmem:v2+s20+$0xC60 ss:$0x1], $0xffff  }
0x1b3: {  	[tilespmem:s21+$0xC60] =	vst.add.f32.msk $0xffff, v5  }
0x1b4: {  	v5 =	vld.idx.msk [tilespmem:v2+s19+$0xC70 ss:$0x1], $0xffff  }
0x1b5: {  	[tilespmem:s18+$0xC50] =	vst.add.f32.msk $0xffff, v4  }
0x1b6: {  	v4 =	vld.idx.msk [tilespmem:v2+s2+$0xC60 ss:$0x1], $0xffff  }
0x1b7: {  	[tilespmem:s22+$0xC60] =	vst.add.f32.msk $0xffff, v6  }
0x1b8: {  	v6 =	vld.idx.msk [tilespmem:v2+s20+$0xC70 ss:$0x1], $0xffff  }
0x1b9: {  	[tilespmem:s21+$0xC70] =	vst.add.f32.msk $0xffff, v5  }
0x1ba: {  	v5 =	vld.idx.msk [tilespmem:v2+s19+$0x1000 ss:$0x1], $0xffff  }
0x1bb: {  	[tilespmem:s18+$0xC60] =	vst.add.f32.msk $0xffff, v4  }
0x1bc: {  	v4 =	vld.idx.msk [tilespmem:v2+s2+$0xC70 ss:$0x1], $0xffff  }
0x1bd: {  	[tilespmem:s22+$0xC70] =	vst.add.f32.msk $0xffff, v6  }
0x1be: {  	v6 =	vld.idx.msk [tilespmem:v2+s20+$0x1000 ss:$0x1], $0xffff  }
0x1bf: {  	[tilespmem:s21+$0x1000] =	vst.add.f32.msk $0xffff, v5  }
0x1c0: {  	v5 =	vld.idx.msk [tilespmem:v2+s19+$0x1010 ss:$0x1], $0xffff  }
0x1c1: {  	[tilespmem:s18+$0xC70] =	vst.add.f32.msk $0xffff, v4  }
0x1c2: {  	v4 =	vld.idx.msk [tilespmem:v2+s2+$0x1000 ss:$0x1], $0xffff  }
0x1c3: {  	[tilespmem:s22+$0x1000] =	vst.add.f32.msk $0xffff, v6  }
0x1c4: {  	v6 =	vld.idx.msk [tilespmem:v2+s20+$0x1010 ss:$0x1], $0xffff  }
0x1c5: {  	[tilespmem:s21+$0x1010] =	vst.add.f32.msk $0xffff, v5  }
0x1c6: {  	v5 =	vld.idx.msk [tilespmem:v2+s19+$0x1020 ss:$0x1], $0xffff  }
0x1c7: {  	[tilespmem:s18+$0x1000] =	vst.add.f32.msk $0xffff, v4  }
0x1c8: {  	v4 =	vld.idx.msk [tilespmem:v2+s2+$0x1010 ss:$0x1], $0xffff  }
0x1c9: {  	[tilespmem:s22+$0x1010] =	vst.add.f32.msk $0xffff, v6  }
0x1ca: {  	v6 =	vld.idx.msk [tilespmem:v2+s20+$0x1020 ss:$0x1], $0xffff  }
0x1cb: {  	[tilespmem:s21+$0x1020] =	vst.add.f32.msk $0xffff, v5  }
0x1cc: {  	v5 =	vld.idx.msk [tilespmem:v2+s19+$0x1030 ss:$0x1], $0xffff  }
0x1cd: {  	[tilespmem:s18+$0x1010] =	vst.add.f32.msk $0xffff, v4  }
0x1ce: {  	v4 =	vld.idx.msk [tilespmem:v2+s2+$0x1020 ss:$0x1], $0xffff  }
0x1cf: {  	[tilespmem:s22+$0x1020] =	vst.add.f32.msk $0xffff, v6  }
0x1d0: {  	v6 =	vld.idx.msk [tilespmem:v2+s20+$0x1030 ss:$0x1], $0xffff  }
0x1d1: {  	[tilespmem:s21+$0x1030] =	vst.add.f32.msk $0xffff, v5  }
0x1d2: {  	v5 =	vld.idx.msk [tilespmem:v2+s19+$0x1040 ss:$0x1], $0xffff  }
0x1d3: {  	[tilespmem:s18+$0x1020] =	vst.add.f32.msk $0xffff, v4  }
0x1d4: {  	v4 =	vld.idx.msk [tilespmem:v2+s2+$0x1030 ss:$0x1], $0xffff  }
0x1d5: {  	[tilespmem:s22+$0x1030] =	vst.add.f32.msk $0xffff, v6  }
0x1d6: {  	v6 =	vld.idx.msk [tilespmem:v2+s20+$0x1040 ss:$0x1], $0xffff  }
0x1d7: {  	[tilespmem:s21+$0x1040] =	vst.add.f32.msk $0xffff, v5  }
0x1d8: {  	v5 =	vld.idx.msk [tilespmem:v2+s19+$0x1050 ss:$0x1], $0xffff  }
0x1d9: {  	[tilespmem:s18+$0x1030] =	vst.add.f32.msk $0xffff, v4  }
0x1da: {  	v4 =	vld.idx.msk [tilespmem:v2+s2+$0x1040 ss:$0x1], $0xffff  }
0x1db: {  	[tilespmem:s22+$0x1040] =	vst.add.f32.msk $0xffff, v6  }
0x1dc: {  	v6 =	vld.idx.msk [tilespmem:v2+s20+$0x1050 ss:$0x1], $0xffff  }
0x1dd: {  	[tilespmem:s21+$0x1050] =	vst.add.f32.msk $0xffff, v5  }
0x1de: {  	v5 =	vld.idx.msk [tilespmem:v2+s19+$0x1060 ss:$0x1], $0xffff  }
0x1df: {  	[tilespmem:s18+$0x1040] =	vst.add.f32.msk $0xffff, v4  }
0x1e0: {  	v4 =	vld.idx.msk [tilespmem:v2+s2+$0x1050 ss:$0x1], $0xffff  }
0x1e1: {  	[tilespmem:s22+$0x1050] =	vst.add.f32.msk $0xffff, v6  }
0x1e2: {  	v6 =	vld.idx.msk [tilespmem:v2+s20+$0x1060 ss:$0x1], $0xffff  }
0x1e3: {  	[tilespmem:s21+$0x1060] =	vst.add.f32.msk $0xffff, v5  }
0x1e4: {  	v5 =	vld.idx.msk [tilespmem:v2+s19+$0x1070 ss:$0x1], $0xffff  }
0x1e5: {  	[tilespmem:s18+$0x1050] =	vst.add.f32.msk $0xffff, v4  }
0x1e6: {  	v4 =	vld.idx.msk [tilespmem:v2+s2+$0x1060 ss:$0x1], $0xffff  }
0x1e7: {  	[tilespmem:s22+$0x1060] =	vst.add.f32.msk $0xffff, v6  }
0x1e8: {  	v6 =	vld.idx.msk [tilespmem:v2+s20+$0x1070 ss:$0x1], $0xffff  }
0x1e9: {  	[tilespmem:s21+$0x1070] =	vst.add.f32.msk $0xffff, v5  }
0x1ea: {  	v5 =	vld.idx.msk [tilespmem:v2+s19+$0x1400 ss:$0x1], $0xffff  }
0x1eb: {  	[tilespmem:s18+$0x1060] =	vst.add.f32.msk $0xffff, v4  }
0x1ec: {  	v4 =	vld.idx.msk [tilespmem:v2+s2+$0x1070 ss:$0x1], $0xffff  }
0x1ed: {  	[tilespmem:s22+$0x1070] =	vst.add.f32.msk $0xffff, v6  }
0x1ee: {  	v6 =	vld.idx.msk [tilespmem:v2+s20+$0x1400 ss:$0x1], $0xffff  }
0x1ef: {  	[tilespmem:s21+$0x1400] =	vst.add.f32.msk $0xffff, v5  }
0x1f0: {  	v5 =	vld.idx.msk [tilespmem:v2+s19+$0x1410 ss:$0x1], $0xffff  }
0x1f1: {  	[tilespmem:s18+$0x1070] =	vst.add.f32.msk $0xffff, v4  }
0x1f2: {  	v4 =	vld.idx.msk [tilespmem:v2+s2+$0x1400 ss:$0x1], $0xffff  }
0x1f3: {  	[tilespmem:s22+$0x1400] =	vst.add.f32.msk $0xffff, v6  }
0x1f4: {  	v6 =	vld.idx.msk [tilespmem:v2+s20+$0x1410 ss:$0x1], $0xffff  }
0x1f5: {  	[tilespmem:s21+$0x1410] =	vst.add.f32.msk $0xffff, v5  }
0x1f6: {  	v5 =	vld.idx.msk [tilespmem:v2+s19+$0x1420 ss:$0x1], $0xffff  }
0x1f7: {  	[tilespmem:s18+$0x1400] =	vst.add.f32.msk $0xffff, v4  }
0x1f8: {  	v4 =	vld.idx.msk [tilespmem:v2+s2+$0x1410 ss:$0x1], $0xffff  }
0x1f9: {  	[tilespmem:s22+$0x1410] =	vst.add.f32.msk $0xffff, v6  }
0x1fa: {  	v6 =	vld.idx.msk [tilespmem:v2+s20+$0x1420 ss:$0x1], $0xffff  }
0x1fb: {  	[tilespmem:s21+$0x1420] =	vst.add.f32.msk $0xffff, v5  }
0x1fc: {  	v5 =	vld.idx.msk [tilespmem:v2+s19+$0x1430 ss:$0x1], $0xffff  }
0x1fd: {  	[tilespmem:s18+$0x1410] =	vst.add.f32.msk $0xffff, v4  }
0x1fe: {  	v4 =	vld.idx.msk [tilespmem:v2+s2+$0x1420 ss:$0x1], $0xffff  }
0x1ff: {  	[tilespmem:s22+$0x1420] =	vst.add.f32.msk $0xffff, v6  }
0x200: {  	v6 =	vld.idx.msk [tilespmem:v2+s20+$0x1430 ss:$0x1], $0xffff  }
0x201: {  	[tilespmem:s21+$0x1430] =	vst.add.f32.msk $0xffff, v5  }
0x202: {  	v5 =	vld.idx.msk [tilespmem:v2+s19+$0x1440 ss:$0x1], $0xffff  }
0x203: {  	[tilespmem:s18+$0x1420] =	vst.add.f32.msk $0xffff, v4  }
0x204: {  	v4 =	vld.idx.msk [tilespmem:v2+s2+$0x1430 ss:$0x1], $0xffff  }
0x205: {  	[tilespmem:s22+$0x1430] =	vst.add.f32.msk $0xffff, v6  }
0x206: {  	v6 =	vld.idx.msk [tilespmem:v2+s20+$0x1440 ss:$0x1], $0xffff  }
0x207: {  	[tilespmem:s21+$0x1440] =	vst.add.f32.msk $0xffff, v5  }
0x208: {  	v5 =	vld.idx.msk [tilespmem:v2+s19+$0x1450 ss:$0x1], $0xffff  }
0x209: {  	[tilespmem:s18+$0x1430] =	vst.add.f32.msk $0xffff, v4  }
0x20a: {  	v4 =	vld.idx.msk [tilespmem:v2+s2+$0x1440 ss:$0x1], $0xffff  }
0x20b: {  	[tilespmem:s22+$0x1440] =	vst.add.f32.msk $0xffff, v6  }
0x20c: {  	v6 =	vld.idx.msk [tilespmem:v2+s20+$0x1450 ss:$0x1], $0xffff  }
0x20d: {  	[tilespmem:s21+$0x1450] =	vst.add.f32.msk $0xffff, v5  }
0x20e: {  	v5 =	vld.idx.msk [tilespmem:v2+s19+$0x1460 ss:$0x1], $0xffff  }
0x20f: {  	[tilespmem:s18+$0x1440] =	vst.add.f32.msk $0xffff, v4  }
0x210: {  	v4 =	vld.idx.msk [tilespmem:v2+s2+$0x1450 ss:$0x1], $0xffff  }
0x211: {  	[tilespmem:s22+$0x1450] =	vst.add.f32.msk $0xffff, v6  }
0x212: {  	v6 =	vld.idx.msk [tilespmem:v2+s20+$0x1460 ss:$0x1], $0xffff  }
0x213: {  	[tilespmem:s21+$0x1460] =	vst.add.f32.msk $0xffff, v5  }
0x214: {  	v5 =	vld.idx.msk [tilespmem:v2+s19+$0x1470 ss:$0x1], $0xffff  }
0x215: {  	[tilespmem:s18+$0x1450] =	vst.add.f32.msk $0xffff, v4  }
0x216: {  	v4 =	vld.idx.msk [tilespmem:v2+s2+$0x1460 ss:$0x1], $0xffff  }
0x217: {  	[tilespmem:s22+$0x1460] =	vst.add.f32.msk $0xffff, v6  }
0x218: {  	v6 =	vld.idx.msk [tilespmem:v2+s20+$0x1470 ss:$0x1], $0xffff  }
0x219: {  	[tilespmem:s21+$0x1470] =	vst.add.f32.msk $0xffff, v5  }
0x21a: {  	v5 =	vld.idx.msk [tilespmem:v2+s19+$0x1800 ss:$0x1], $0xffff  }
0x21b: {  	[tilespmem:s18+$0x1460] =	vst.add.f32.msk $0xffff, v4  }
0x21c: {  	v4 =	vld.idx.msk [tilespmem:v2+s2+$0x1470 ss:$0x1], $0xffff  }
0x21d: {  	[tilespmem:s22+$0x1470] =	vst.add.f32.msk $0xffff, v6  }
0x21e: {  	v6 =	vld.idx.msk [tilespmem:v2+s20+$0x1800 ss:$0x1], $0xffff  }
0x21f: {  	[tilespmem:s21+$0x1800] =	vst.add.f32.msk $0xffff, v5  }
0x220: {  	v5 =	vld.idx.msk [tilespmem:v2+s19+$0x1810 ss:$0x1], $0xffff  }
0x221: {  	[tilespmem:s18+$0x1470] =	vst.add.f32.msk $0xffff, v4  }
0x222: {  	v4 =	vld.idx.msk [tilespmem:v2+s2+$0x1800 ss:$0x1], $0xffff  }
0x223: {  	[tilespmem:s22+$0x1800] =	vst.add.f32.msk $0xffff, v6  }
0x224: {  	v6 =	vld.idx.msk [tilespmem:v2+s20+$0x1810 ss:$0x1], $0xffff  }
0x225: {  	[tilespmem:s21+$0x1810] =	vst.add.f32.msk $0xffff, v5  }
0x226: {  	v5 =	vld.idx.msk [tilespmem:v2+s19+$0x1820 ss:$0x1], $0xffff  }
0x227: {  	[tilespmem:s18+$0x1800] =	vst.add.f32.msk $0xffff, v4  }
0x228: {  	v4 =	vld.idx.msk [tilespmem:v2+s2+$0x1810 ss:$0x1], $0xffff  }
0x229: {  	[tilespmem:s22+$0x1810] =	vst.add.f32.msk $0xffff, v6  }
0x22a: {  	v6 =	vld.idx.msk [tilespmem:v2+s20+$0x1820 ss:$0x1], $0xffff  }
0x22b: {  	[tilespmem:s21+$0x1820] =	vst.add.f32.msk $0xffff, v5  }
0x22c: {  	v5 =	vld.idx.msk [tilespmem:v2+s19+$0x1830 ss:$0x1], $0xffff  }
0x22d: {  	[tilespmem:s18+$0x1810] =	vst.add.f32.msk $0xffff, v4  }
0x22e: {  	v4 =	vld.idx.msk [tilespmem:v2+s2+$0x1820 ss:$0x1], $0xffff  }
0x22f: {  	[tilespmem:s22+$0x1820] =	vst.add.f32.msk $0xffff, v6  }
0x230: {  	v6 =	vld.idx.msk [tilespmem:v2+s20+$0x1830 ss:$0x1], $0xffff  }
0x231: {  	[tilespmem:s21+$0x1830] =	vst.add.f32.msk $0xffff, v5  }
0x232: {  	v5 =	vld.idx.msk [tilespmem:v2+s19+$0x1840 ss:$0x1], $0xffff  }
0x233: {  	[tilespmem:s18+$0x1820] =	vst.add.f32.msk $0xffff, v4  }
0x234: {  	v4 =	vld.idx.msk [tilespmem:v2+s2+$0x1830 ss:$0x1], $0xffff  }
0x235: {  	[tilespmem:s22+$0x1830] =	vst.add.f32.msk $0xffff, v6  }
0x236: {  	v6 =	vld.idx.msk [tilespmem:v2+s20+$0x1840 ss:$0x1], $0xffff  }
0x237: {  	[tilespmem:s21+$0x1840] =	vst.add.f32.msk $0xffff, v5  }
0x238: {  	v5 =	vld.idx.msk [tilespmem:v2+s19+$0x1850 ss:$0x1], $0xffff  }
0x239: {  	[tilespmem:s18+$0x1830] =	vst.add.f32.msk $0xffff, v4  }
0x23a: {  	v4 =	vld.idx.msk [tilespmem:v2+s2+$0x1840 ss:$0x1], $0xffff  }
0x23b: {  	[tilespmem:s22+$0x1840] =	vst.add.f32.msk $0xffff, v6  }
0x23c: {  	v6 =	vld.idx.msk [tilespmem:v2+s20+$0x1850 ss:$0x1], $0xffff  }
0x23d: {  	[tilespmem:s21+$0x1850] =	vst.add.f32.msk $0xffff, v5  }
0x23e: {  	v5 =	vld.idx.msk [tilespmem:v2+s19+$0x1860 ss:$0x1], $0xffff  }
0x23f: {  	[tilespmem:s18+$0x1840] =	vst.add.f32.msk $0xffff, v4  }
0x240: {  	v4 =	vld.idx.msk [tilespmem:v2+s2+$0x1850 ss:$0x1], $0xffff  }
0x241: {  	[tilespmem:s22+$0x1850] =	vst.add.f32.msk $0xffff, v6  }
0x242: {  	v6 =	vld.idx.msk [tilespmem:v2+s20+$0x1860 ss:$0x1], $0xffff  }
0x243: {  	[tilespmem:s21+$0x1860] =	vst.add.f32.msk $0xffff, v5  }
0x244: {  	v5 =	vld.idx.msk [tilespmem:v2+s19+$0x1870 ss:$0x1], $0xffff  }
0x245: {  	[tilespmem:s18+$0x1850] =	vst.add.f32.msk $0xffff, v4  }
0x246: {  	v4 =	vld.idx.msk [tilespmem:v2+s2+$0x1860 ss:$0x1], $0xffff  }
0x247: {  	[tilespmem:s22+$0x1860] =	vst.add.f32.msk $0xffff, v6  }
0x248: {  	v6 =	vld.idx.msk [tilespmem:v2+s20+$0x1870 ss:$0x1], $0xffff  }
0x249: {  	[tilespmem:s21+$0x1870] =	vst.add.f32.msk $0xffff, v5  }
0x24a: {  	v5 =	vld.idx.msk [tilespmem:v2+s19+$0x1C00 ss:$0x1], $0xffff  }
0x24b: {  	[tilespmem:s18+$0x1860] =	vst.add.f32.msk $0xffff, v4  }
0x24c: {  	v4 =	vld.idx.msk [tilespmem:v2+s2+$0x1870 ss:$0x1], $0xffff  }
0x24d: {  	[tilespmem:s22+$0x1870] =	vst.add.f32.msk $0xffff, v6  }
0x24e: {  	v6 =	vld.idx.msk [tilespmem:v2+s20+$0x1C00 ss:$0x1], $0xffff  }
0x24f: {  	[tilespmem:s21+$0x1C00] =	vst.add.f32.msk $0xffff, v5  }
0x250: {  	v5 =	vld.idx.msk [tilespmem:v2+s19+$0x1C10 ss:$0x1], $0xffff  }
0x251: {  	[tilespmem:s18+$0x1870] =	vst.add.f32.msk $0xffff, v4  }
0x252: {  	v4 =	vld.idx.msk [tilespmem:v2+s2+$0x1C00 ss:$0x1], $0xffff  }
0x253: {  	[tilespmem:s22+$0x1C00] =	vst.add.f32.msk $0xffff, v6  }
0x254: {  	v6 =	vld.idx.msk [tilespmem:v2+s20+$0x1C10 ss:$0x1], $0xffff  }
0x255: {  	[tilespmem:s21+$0x1C10] =	vst.add.f32.msk $0xffff, v5  }
0x256: {  	v5 =	vld.idx.msk [tilespmem:v2+s19+$0x1C20 ss:$0x1], $0xffff  }
0x257: {  	[tilespmem:s18+$0x1C00] =	vst.add.f32.msk $0xffff, v4  }
0x258: {  	v4 =	vld.idx.msk [tilespmem:v2+s2+$0x1C10 ss:$0x1], $0xffff  }
0x259: {  	[tilespmem:s22+$0x1C10] =	vst.add.f32.msk $0xffff, v6  }
0x25a: {  	v6 =	vld.idx.msk [tilespmem:v2+s20+$0x1C20 ss:$0x1], $0xffff  }
0x25b: {  	[tilespmem:s21+$0x1C20] =	vst.add.f32.msk $0xffff, v5  }
0x25c: {  	v5 =	vld.idx.msk [tilespmem:v2+s19+$0x1C30 ss:$0x1], $0xffff  }
0x25d: {  	[tilespmem:s18+$0x1C10] =	vst.add.f32.msk $0xffff, v4  }
0x25e: {  	v4 =	vld.idx.msk [tilespmem:v2+s2+$0x1C20 ss:$0x1], $0xffff  }
0x25f: {  	[tilespmem:s22+$0x1C20] =	vst.add.f32.msk $0xffff, v6  }
0x260: {  	v6 =	vld.idx.msk [tilespmem:v2+s20+$0x1C30 ss:$0x1], $0xffff  }
0x261: {  	[tilespmem:s21+$0x1C30] =	vst.add.f32.msk $0xffff, v5  }
0x262: {  	v5 =	vld.idx.msk [tilespmem:v2+s19+$0x1C40 ss:$0x1], $0xffff  }
0x263: {  	[tilespmem:s18+$0x1C20] =	vst.add.f32.msk $0xffff, v4  }
0x264: {  	v4 =	vld.idx.msk [tilespmem:v2+s2+$0x1C30 ss:$0x1], $0xffff  }
0x265: {  	[tilespmem:s22+$0x1C30] =	vst.add.f32.msk $0xffff, v6  }
0x266: {  	v6 =	vld.idx.msk [tilespmem:v2+s20+$0x1C40 ss:$0x1], $0xffff  }
0x267: {  	[tilespmem:s21+$0x1C40] =	vst.add.f32.msk $0xffff, v5  }
0x268: {  	v5 =	vld.idx.msk [tilespmem:v2+s19+$0x1C50 ss:$0x1], $0xffff  }
0x269: {  	[tilespmem:s18+$0x1C30] =	vst.add.f32.msk $0xffff, v4  }
0x26a: {  	v4 =	vld.idx.msk [tilespmem:v2+s2+$0x1C40 ss:$0x1], $0xffff  }
0x26b: {  	[tilespmem:s22+$0x1C40] =	vst.add.f32.msk $0xffff, v6  }
0x26c: {  	v6 =	vld.idx.msk [tilespmem:v2+s20+$0x1C50 ss:$0x1], $0xffff;
	_ =	sdelay $0x1  }
0x26d: {  	[tilespmem:s21+$0x1C50] =	vst.add.f32.msk $0xffff, v5  }
0x26e: {  	[tilespmem:s18+$0x1C40] =	vst.add.f32.msk $0xffff, v4  }
0x26f: {  	v4 =	vld.idx.msk [tilespmem:v2+s2+$0x1C50 ss:$0x1], $0xffff  }
0x270: {  	[tilespmem:s22+$0x1C50] =	vst.add.f32.msk $0xffff, v6  }
0x271: {  	v5 =	vld.idx.msk [tilespmem:v2+s19+$0x1C60 ss:$0x1], $0xffff  }
0x272: {  	v6 =	vld.idx.msk [tilespmem:v2+s20+$0x1C60 ss:$0x1], $0xffff;
	_ =	sdelay $0x1  }
0x273: {  	[tilespmem:s18+$0x1C50] =	vst.add.f32.msk $0xffff, v4  }
0x274: {  	v4 =	vld.idx.msk [tilespmem:v2+s2+$0x1C60 ss:$0x1], $0xffff  }
0x275: {  	[tilespmem:s21+$0x1C60] =	vst.add.f32.msk $0xffff, v5  }
0x276: {  	[tilespmem:s22+$0x1C60] =	vst.add.f32.msk $0xffff, v6  }
0x277: {  	v5 =	vld.idx.msk [tilespmem:v2+s19+$0x1C70 ss:$0x1], $0xffff  }
0x278: {  	v6 =	vld.idx.msk [tilespmem:v2+s20+$0x1C70 ss:$0x1], $0xffff  }
0x279: {  	[tilespmem:s18+$0x1C60] =	vst.add.f32.msk $0xffff, v4  }
0x27a: {  	p1 =	por p0, p0;
	v4 =	vld.idx.msk [tilespmem:v2+s2+$0x1C70 ss:$0x1], $0xffff  }
.Ltmp1:
0x27b: {  	_ = 	snop;
	(pc) =	sbr.rel @p1 .LBB2_5-.Ltmp1, $4  }
0x27c: {  	[tilespmem:s1+$0x1C70] =	vst.add.f32.msk $0xffff, v3  }
0x27d: {  	[tilespmem:s21+$0x1C70] =	vst.add.f32.msk $0xffff, v5  }
0x27e: {  	[tilespmem:s22+$0x1C70] =	vst.add.f32.msk $0xffff, v6  }
0x27f: {  	p0 =	por $0x0, $0x0;
	[tilespmem:s18+$0x1C70] =	vst.add.f32.msk $0xffff, v4;
	s18 =	simm.s32 $0x200  }
0x280: {  	s1 =	sadd.s32 s7, s29;
	s29 =	sadd.s32 $0x1, s29  }
0x281: {  	p0 =	sne.s32 s29, $0x80  }
.Ltmp2:
0x282: {  	_ = 	snop;
	(pc) =	sbr.rel @p0 .LBB2_2-.Ltmp2, $4  }
0x283: {  	_ = 	snop  }
0x284: {  	s1 =	sshll.u32 s1, $0xA  }
0x285: {  	s2 =	sadd.s32 $0xE, s30;
	s1 =	sadd.s32 s4, s1  }
0x286: {  	[hbm4b:s1+s5] =	stream.linear.scatter [tilespmem:s31], [sflag:s2], $0x2000, $0x38;
	[tilespmem:$0x1A400] =	vst v63  }
0x287: {  	_ =	swait.ge [sflag:s23], $0x2000  }
0x288: {  	[sflag:s23] =	ssyncset.done $0x0  }
0x289: {  	[sflag:s23] =	ssyncadd.s32 $0xFFFFE000  }
0x28a: {  	_ =	swait.ge [sflag:s24], $0x2000  }
0x28b: {  	[sflag:s24] =	ssyncset.done $0x0  }
0x28c: {  	s28 =	sadd.s32 $0x1, s28;
	[sflag:s24] =	ssyncadd.s32 $0xFFFFE000  }
0x28d: {  	p0 =	sne.s32 s28, s16;
	_ =	swait.ge [sflag:s25], $0x2000  }
.Ltmp3:
0x28e: {  	[sflag:s25] =	ssyncset.done $0x0;
	(pc) =	sbr.rel @p0 .LBB2_1-.Ltmp3, $4  }
0x28f: {  	[sflag:s25] =	ssyncadd.s32 $0xFFFFE000  }
0x290: {  	_ =	swait.ge [sflag:s26], $0x2000  }
0x291: {  	[sflag:s26] =	ssyncset.done $0x0  }
0x292: {  	[sflag:s26] =	ssyncadd.s32 $0xFFFFE000  }
0x293: {  	_ =	sfence.sel $0x180000  }
0x294: {  	[bflag:$0x0] =	sbarrier.arrive $0xFFFF  }
0x295: {  	_ =	strace $0x90000047  }
0x296: {  	s0 =	stileid.u32;
	[bflag:$0x2] =	sbarrier.arrive $0xFFFF  }
0x297: {  	p0 =	sne.s32 s0, $0x0;
	s0 =	rddreg [dreg:$0x4]  }
0x298: {  	s0 =	sadd.s32 @!p0 $0x100000, s0  }
0x299: {  	[sflag:s0] =	ssyncadd.tile.s32 @!p0 $0x1;
	_ =	shalt  }
.Lfunc_end2:
_tile_overlayer_lowered:
.L_overlay_start_2:
0x29a: {  	(tag) =	ssettag $0x2  }
0x29b: {  	s0 =	rddreg [dreg:$0x0];
	s2 =	stileid.u32  }
0x29c: {  	s1 =	rddreg [dreg:$0x1];
	p0 =	sne.s32 s2, $0x0  }
0x29d: {  	s3 =	rddreg [dreg:$0x2];
	[bflag:$0x3] =	sbarrier.arrive $0xFFFF;
	s2 =	simm.s32 @!p0 $0x1C16  }
0x29e: {  	[timem:s3], [sflag:s2] =	dma.local @!p0 [hbm:s0], s1  }
0x29f: {  	s0 =	simm.s32 @!p0 $0x16  }
0x2a0: {  	_ =	swait.ge @!p0 [sflag:s0], s1  }
0x2a1: {  	s1 =	ssub.s32 @!p0 $0x0, s1;
	[sflag:s0] =	ssyncset.done @!p0 $0x0  }
0x2a2: {  	[sflag:s0] =	ssyncadd.s32 @!p0 s1  }
0x2a3: {  	[bflag:$0x3] =	sbarrier.arrive $0xFFFF  }
0x2a4: {  	_ =	shalt  }

</sc_bundles>
